<compile_context>
chip_gen: v7x
topology: tpu7x:2x2x1
jax: 0.10.2.dev20260603
libtpu: 0.0.44.dev20260713+nightly
codegen_flags: <defaults>
</compile_context>

<pallas_src>
import functools

import jax
import jax.numpy as jnp
from jax import lax
from jax.experimental import pallas as pl
from jax.experimental.pallas import tpu as pltpu
from jax.experimental.pallas import tpu_sc as plsc

N_NAMES = 9
VOCAB = 124
D = 128
N = 100000
B = 128
NBLK = (N + B - 1) // B
NW = 32

_mesh = plsc.VectorSubcoreMesh(core_axis_name="c", subcore_axis_name="s")


@functools.partial(
    pl.kernel,
    out_type=jax.ShapeDtypeStruct((N, D), jnp.float32),
    mesh=_mesh,
    scratch_types=[
        pltpu.VMEM((N_NAMES, B), jnp.int32),
        pltpu.VMEM((B, D), jnp.float32),
        pltpu.SemaphoreType.DMA,
        pltpu.SemaphoreType.DMA,
    ],
)
def _embed_sum(nf_hbm, tables_hbm, out_hbm, idx_v, acc_v, sem_i, sem_g):
    cid = lax.axis_index("c")
    sid = lax.axis_index("s")
    wid = sid * 2 + cid

    def body(k, carry):
        b = wid + k * NW
        base = jnp.where(b == NBLK - 1, N - B, b * B)
        for i in range(N_NAMES):
            pltpu.async_copy(nf_hbm.at[pl.ds(i * N + base, B)], idx_v.at[i], sem_i)
        for i in range(N_NAMES):
            pltpu.make_async_copy(
                nf_hbm.at[pl.ds(i * N + base, B)], idx_v.at[i], sem_i
            ).wait()
        pltpu.async_copy(tables_hbm.at[0].at[idx_v.at[0]], acc_v, sem_g).wait()
        for i in range(1, N_NAMES):
            pltpu.async_copy(
                tables_hbm.at[i].at[idx_v.at[i]], acc_v, sem_g, add=True
            ).wait()
        pltpu.sync_copy(acc_v, out_hbm.at[pl.ds(base, B)])
        return carry

    nmine = (NBLK - wid + NW - 1) // NW
    lax.fori_loop(0, nmine, body, 0)


def kernel(node_features, tables):
    return _embed_sum(node_features.reshape(-1), tables)

# --- scband reference (transcript-rebuilt; emitter-appended) ---
"""Pipeline reference for scband-atom-embedding-5111011083057 (READ-ONLY COPY).

The authoritative reference and input builder live on the scoring server;
editing this copy changes nothing except your own understanding.
"""

import jax, jax.numpy as jnp
import numpy as np

N_NAMES = 9
VOCAB = 124  # CompoundKit.get_atom_feature_size(name) + 5, modeled as 119 + 5
EMBED_DIM = 128
N_NODES = 100000


def setup_inputs(seed: int = 0) -> dict:
    key = jax.random.key(seed)
    k_idx, k_tab = jax.random.split(key)
    node_features = jax.random.randint(k_idx, (N_NAMES, N_NODES), 0, 119, dtype=jnp.int32)
    # learned parameters: one embedding table per atom feature name
    tables = jax.random.normal(k_tab, (N_NAMES, VOCAB, EMBED_DIM), dtype=jnp.float32) * 0.02
    return {"node_features": node_features, "tables": tables}


def reference(node_features, tables):
    # Faithful translation: out_embed = sum_i embed_list[i](node_features[i])
    out_embed = jnp.zeros((node_features.shape[1], EMBED_DIM), dtype=jnp.float32)
    for i in range(N_NAMES):
        out_embed = out_embed + jnp.take(tables[i], node_features[i], axis=0)
    return out_embed

if __name__ == "__main__":
    import jax
    _d = setup_inputs()
    print(jax.jit(kernel)(*tuple(_d.values())))

</pallas_src>

<mosaic_0001>
#map = affine_map<(d0, d1) -> (0)>
#map1 = affine_map<(d0, d1) -> (0, 0, 0)>
#map2 = affine_map<(d0, d1) -> (0, 0)>
module attributes {stable_mosaic.version = 14 : i64} {
  func.func @_embed_sum(%arg0: i32, %arg1: i32, %arg2: memref<900000xi32, #tpu.memory_space<hbm>>, %arg3: memref<9x124x128xf32, #tpu.memory_space<hbm>>, %arg4: memref<100000x128xf32, #tpu.memory_space<hbm>>, %arg5: memref<9x128xi32, #tpu.memory_space<vmem>>, %arg6: memref<128x128xf32, #tpu.memory_space<vmem>>, %arg7: memref<!tpu.dma_semaphore, #tpu.memory_space<semaphore_mem>>, %arg8: memref<!tpu.dma_semaphore, #tpu.memory_space<semaphore_mem>>) attributes {dimension_semantics = [#tpu.dimension_semantics<core_parallel>, #tpu.dimension_semantics<subcore_parallel>], iteration_bounds = array<i64: 2, 16>, scalar_prefetch = 0 : i64, scratch_operands = 4 : i64, tpu.core_type = #tpu.core_type<sc_vector_subcore>, window_params = [{transform_indices = #map}, {transform_indices = #map1}, {transform_indices = #map2}]} {
    %mul3A = arith.constant 2 : i32
    %mul3A_0 = arith.muli %arg1, %mul3A : i32
    %add3A = arith.addi %mul3A_0, %arg0 : i32
    %sub3A = arith.constant 782 : i32
    %sub3A_1 = arith.subi %sub3A, %add3A : i32
    %add3A_2 = arith.constant 32 : i32
    %add3A_3 = arith.addi %sub3A_1, %add3A_2 : i32
    %sub3A_4 = arith.constant 1 : i32
    %sub3A_5 = arith.subi %add3A_3, %sub3A_4 : i32
    %jit3A = arith.constant 32 : i32
    %div3A = arith.divsi %sub3A_5, %jit3A : i32
    %sign3A = arith.constant 0 : i32
    %sign3A_6 = arith.cmpi sgt, %sub3A_5, %sign3A : i32
    %sign3A_7 = arith.extui %sign3A_6 : i1 to i32
    %sign3A_8 = arith.constant 0 : i32
    %sign3A_9 = arith.cmpi slt, %sub3A_5, %sign3A_8 : i32
    %sign3A_10 = arith.extui %sign3A_9 : i1 to i32
    %sign3A_11 = arith.subi %sign3A_7, %sign3A_10 : i32
    %sign3A_12 = arith.constant 0 : i32
    %sign3A_13 = arith.cmpi sgt, %jit3A, %sign3A_12 : i32
    %sign3A_14 = arith.extui %sign3A_13 : i1 to i32
    %sign3A_15 = arith.constant 0 : i32
    %sign3A_16 = arith.cmpi slt, %jit3A, %sign3A_15 : i32
    %sign3A_17 = arith.extui %sign3A_16 : i1 to i32
    %sign3A_18 = arith.subi %sign3A_14, %sign3A_17 : i32
    %ne3A = arith.cmpi ne, %sign3A_11, %sign3A_18 : i32
    %rem3A = arith.remsi %sub3A_5, %jit3A : i32
    %ne3A_19 = arith.constant 0 : i32
    %ne3A_20 = arith.cmpi ne, %rem3A, %ne3A_19 : i32
    %and3A = arith.andi %ne3A, %ne3A_20 : i1
    %sub3A_21 = arith.constant 1 : i32
    %sub3A_22 = arith.subi %div3A, %sub3A_21 : i32
    %select_n3A = arith.select %and3A, %sub3A_22, %div3A : i32
    %while3A = arith.constant 0 : i32
    %while3A_23 = arith.constant 0 : i32
    %while3A_24 = arith.subi %select_n3A, %while3A_23 : i32
    %while3A_25 = arith.addi %while3A_23, %while3A_24 : i32
    %while3A_26 = arith.constant 1 : i32
    %while3A_27 = arith.divsi %while3A_24, %while3A_26 : i32
    %while3A_28 = arith.muli %while3A_27, %while3A_26 : i32
    %while3A_29 = arith.addi %while3A_23, %while3A_28 : i32
    %while3A_30 = arith.constant 1 : i32
    scf.for %while3A_32 = %while3A_23 to %while3A_29 step %while3A_30  : i32 {
      %mul3A_33 = arith.constant 32 : i32
      %mul3A_34 = arith.muli %while3A_32, %mul3A_33 : i32
      %add3A_35 = arith.addi %add3A, %mul3A_34 : i32
      %eq3A = arith.constant 781 : i32
      %eq3A_36 = arith.cmpi eq, %add3A_35, %eq3A : i32
      %mul3A_37 = arith.constant 128 : i32
      %mul3A_38 = arith.muli %add3A_35, %mul3A_37 : i32
      %jit3A_39 = arith.constant 99872 : i32
      %select_n3A_40 = arith.select %eq3A_36, %jit3A_39, %mul3A_38 : i32
      %add3A_41 = arith.constant 0 : i32
      %add3A_42 = arith.addi %add3A_41, %select_n3A_40 : i32
      %dma_start3A = arith.constant 0 : i32
      %dma_start3A_43 = arith.constant 0 : i32
      %dma_start3A_44 = tpu.memref_slice %arg5[%dma_start3A, %dma_start3A_43] : memref<9x128xi32, #tpu.memory_space<vmem>> -> memref<1x128xi32, #tpu.memory_space<vmem>>
      %dma_start3A_45 = tpu.memref_squeeze %dma_start3A_44 : memref<1x128xi32, #tpu.memory_space<vmem>> -> memref<128xi32, #tpu.memory_space<vmem>>
      %dma_start3A_46 = tpu.memref_slice %arg2[%add3A_42] : memref<900000xi32, #tpu.memory_space<hbm>> -> memref<128xi32, #tpu.memory_space<hbm>>
      %dma_start3A_47 = arith.constant 0 : i32
      %dma_start3A_48 = tpu.memref_slice %arg5[%dma_start3A, %dma_start3A_47] : memref<9x128xi32, #tpu.memory_space<vmem>> -> memref<1x128xi32, #tpu.memory_space<vmem>>
      %dma_start3A_49 = tpu.memref_squeeze %dma_start3A_48 : memref<1x128xi32, #tpu.memory_space<vmem>> -> memref<128xi32, #tpu.memory_space<vmem>>
      %dma_start3A_50 = tpu.memref_slice %arg2[%add3A_42] : memref<900000xi32, #tpu.memory_space<hbm>> -> memref<128xi32, #tpu.memory_space<hbm>>
      tpu.enqueue_dma source(%dma_start3A_50 : memref<128xi32, #tpu.memory_space<hbm>>) target(%dma_start3A_49 : memref<128xi32, #tpu.memory_space<vmem>>) target_semaphore(%arg7 : memref<!tpu.dma_semaphore, #tpu.memory_space<semaphore_mem>>)
      %add3A_51 = arith.constant 100000 : i32
      %add3A_52 = arith.addi %add3A_51, %select_n3A_40 : i32
      %dma_start3A_53 = arith.constant 1 : i32
      %dma_start3A_54 = arith.constant 0 : i32
      %dma_start3A_55 = tpu.memref_slice %arg5[%dma_start3A_53, %dma_start3A_54] : memref<9x128xi32, #tpu.memory_space<vmem>> -> memref<1x128xi32, #tpu.memory_space<vmem>>
      %dma_start3A_56 = tpu.memref_squeeze %dma_start3A_55 : memref<1x128xi32, #tpu.memory_space<vmem>> -> memref<128xi32, #tpu.memory_space<vmem>>
      %dma_start3A_57 = tpu.memref_slice %arg2[%add3A_52] : memref<900000xi32, #tpu.memory_space<hbm>> -> memref<128xi32, #tpu.memory_space<hbm>>
      %dma_start3A_58 = arith.constant 0 : i32
      %dma_start3A_59 = tpu.memref_slice %arg5[%dma_start3A_53, %dma_start3A_58] : memref<9x128xi32, #tpu.memory_space<vmem>> -> memref<1x128xi32, #tpu.memory_space<vmem>>
      %dma_start3A_60 = tpu.memref_squeeze %dma_start3A_59 : memref<1x128xi32, #tpu.memory_space<vmem>> -> memref<128xi32, #tpu.memory_space<vmem>>
      %dma_start3A_61 = tpu.memref_slice %arg2[%add3A_52] : memref<900000xi32, #tpu.memory_space<hbm>> -> memref<128xi32, #tpu.memory_space<hbm>>
      tpu.enqueue_dma source(%dma_start3A_61 : memref<128xi32, #tpu.memory_space<hbm>>) target(%dma_start3A_60 : memref<128xi32, #tpu.memory_space<vmem>>) target_semaphore(%arg7 : memref<!tpu.dma_semaphore, #tpu.memory_space<semaphore_mem>>)
      %add3A_62 = arith.constant 200000 : i32
      %add3A_63 = arith.addi %add3A_62, %select_n3A_40 : i32
      %dma_start3A_64 = arith.constant 2 : i32
      %dma_start3A_65 = arith.constant 0 : i32
      %dma_start3A_66 = tpu.memref_slice %arg5[%dma_start3A_64, %dma_start3A_65] : memref<9x128xi32, #tpu.memory_space<vmem>> -> memref<1x128xi32, #tpu.memory_space<vmem>>
      %dma_start3A_67 = tpu.memref_squeeze %dma_start3A_66 : memref<1x128xi32, #tpu.memory_space<vmem>> -> memref<128xi32, #tpu.memory_space<vmem>>
      %dma_start3A_68 = tpu.memref_slice %arg2[%add3A_63] : memref<900000xi32, #tpu.memory_space<hbm>> -> memref<128xi32, #tpu.memory_space<hbm>>
      %dma_start3A_69 = arith.constant 0 : i32
      %dma_start3A_70 = tpu.memref_slice %arg5[%dma_start3A_64, %dma_start3A_69] : memref<9x128xi32, #tpu.memory_space<vmem>> -> memref<1x128xi32, #tpu.memory_space<vmem>>
      %dma_start3A_71 = tpu.memref_squeeze %dma_start3A_70 : memref<1x128xi32, #tpu.memory_space<vmem>> -> memref<128xi32, #tpu.memory_space<vmem>>
      %dma_start3A_72 = tpu.memref_slice %arg2[%add3A_63] : memref<900000xi32, #tpu.memory_space<hbm>> -> memref<128xi32, #tpu.memory_space<hbm>>
      tpu.enqueue_dma source(%dma_start3A_72 : memref<128xi32, #tpu.memory_space<hbm>>) target(%dma_start3A_71 : memref<128xi32, #tpu.memory_space<vmem>>) target_semaphore(%arg7 : memref<!tpu.dma_semaphore, #tpu.memory_space<semaphore_mem>>)
      %add3A_73 = arith.constant 300000 : i32
      %add3A_74 = arith.addi %add3A_73, %select_n3A_40 : i32
      %dma_start3A_75 = arith.constant 3 : i32
      %dma_start3A_76 = arith.constant 0 : i32
      %dma_start3A_77 = tpu.memref_slice %arg5[%dma_start3A_75, %dma_start3A_76] : memref<9x128xi32, #tpu.memory_space<vmem>> -> memref<1x128xi32, #tpu.memory_space<vmem>>
      %dma_start3A_78 = tpu.memref_squeeze %dma_start3A_77 : memref<1x128xi32, #tpu.memory_space<vmem>> -> memref<128xi32, #tpu.memory_space<vmem>>
      %dma_start3A_79 = tpu.memref_slice %arg2[%add3A_74] : memref<900000xi32, #tpu.memory_space<hbm>> -> memref<128xi32, #tpu.memory_space<hbm>>
      %dma_start3A_80 = arith.constant 0 : i32
      %dma_start3A_81 = tpu.memref_slice %arg5[%dma_start3A_75, %dma_start3A_80] : memref<9x128xi32, #tpu.memory_space<vmem>> -> memref<1x128xi32, #tpu.memory_space<vmem>>
      %dma_start3A_82 = tpu.memref_squeeze %dma_start3A_81 : memref<1x128xi32, #tpu.memory_space<vmem>> -> memref<128xi32, #tpu.memory_space<vmem>>
      %dma_start3A_83 = tpu.memref_slice %arg2[%add3A_74] : memref<900000xi32, #tpu.memory_space<hbm>> -> memref<128xi32, #tpu.memory_space<hbm>>
      tpu.enqueue_dma source(%dma_start3A_83 : memref<128xi32, #tpu.memory_space<hbm>>) target(%dma_start3A_82 : memref<128xi32, #tpu.memory_space<vmem>>) target_semaphore(%arg7 : memref<!tpu.dma_semaphore, #tpu.memory_space<semaphore_mem>>)
      %add3A_84 = arith.constant 400000 : i32
      %add3A_85 = arith.addi %add3A_84, %select_n3A_40 : i32
      %dma_start3A_86 = arith.constant 4 : i32
      %dma_start3A_87 = arith.constant 0 : i32
      %dma_start3A_88 = tpu.memref_slice %arg5[%dma_start3A_86, %dma_start3A_87] : memref<9x128xi32, #tpu.memory_space<vmem>> -> memref<1x128xi32, #tpu.memory_space<vmem>>
      %dma_start3A_89 = tpu.memref_squeeze %dma_start3A_88 : memref<1x128xi32, #tpu.memory_space<vmem>> -> memref<128xi32, #tpu.memory_space<vmem>>
      %dma_start3A_90 = tpu.memref_slice %arg2[%add3A_85] : memref<900000xi32, #tpu.memory_space<hbm>> -> memref<128xi32, #tpu.memory_space<hbm>>
      %dma_start3A_91 = arith.constant 0 : i32
      %dma_start3A_92 = tpu.memref_slice %arg5[%dma_start3A_86, %dma_start3A_91] : memref<9x128xi32, #tpu.memory_space<vmem>> -> memref<1x128xi32, #tpu.memory_space<vmem>>
      %dma_start3A_93 = tpu.memref_squeeze %dma_start3A_92 : memref<1x128xi32, #tpu.memory_space<vmem>> -> memref<128xi32, #tpu.memory_space<vmem>>
      %dma_start3A_94 = tpu.memref_slice %arg2[%add3A_85] : memref<900000xi32, #tpu.memory_space<hbm>> -> memref<128xi32, #tpu.memory_space<hbm>>
      tpu.enqueue_dma source(%dma_start3A_94 : memref<128xi32, #tpu.memory_space<hbm>>) target(%dma_start3A_93 : memref<128xi32, #tpu.memory_space<vmem>>) target_semaphore(%arg7 : memref<!tpu.dma_semaphore, #tpu.memory_space<semaphore_mem>>)
      %add3A_95 = arith.constant 500000 : i32
      %add3A_96 = arith.addi %add3A_95, %select_n3A_40 : i32
      %dma_start3A_97 = arith.constant 5 : i32
      %dma_start3A_98 = arith.constant 0 : i32
      %dma_start3A_99 = tpu.memref_slice %arg5[%dma_start3A_97, %dma_start3A_98] : memref<9x128xi32, #tpu.memory_space<vmem>> -> memref<1x128xi32, #tpu.memory_space<vmem>>
      %dma_start3A_100 = tpu.memref_squeeze %dma_start3A_99 : memref<1x128xi32, #tpu.memory_space<vmem>> -> memref<128xi32, #tpu.memory_space<vmem>>
      %dma_start3A_101 = tpu.memref_slice %arg2[%add3A_96] : memref<900000xi32, #tpu.memory_space<hbm>> -> memref<128xi32, #tpu.memory_space<hbm>>
      %dma_start3A_102 = arith.constant 0 : i32
      %dma_start3A_103 = tpu.memref_slice %arg5[%dma_start3A_97, %dma_start3A_102] : memref<9x128xi32, #tpu.memory_space<vmem>> -> memref<1x128xi32, #tpu.memory_space<vmem>>
      %dma_start3A_104 = tpu.memref_squeeze %dma_start3A_103 : memref<1x128xi32, #tpu.memory_space<vmem>> -> memref<128xi32, #tpu.memory_space<vmem>>
      %dma_start3A_105 = tpu.memref_slice %arg2[%add3A_96] : memref<900000xi32, #tpu.memory_space<hbm>> -> memref<128xi32, #tpu.memory_space<hbm>>
      tpu.enqueue_dma source(%dma_start3A_105 : memref<128xi32, #tpu.memory_space<hbm>>) target(%dma_start3A_104 : memref<128xi32, #tpu.memory_space<vmem>>) target_semaphore(%arg7 : memref<!tpu.dma_semaphore, #tpu.memory_space<semaphore_mem>>)
      %add3A_106 = arith.constant 600000 : i32
      %add3A_107 = arith.addi %add3A_106, %select_n3A_40 : i32
      %dma_start3A_108 = arith.constant 6 : i32
      %dma_start3A_109 = arith.constant 0 : i32
      %dma_start3A_110 = tpu.memref_slice %arg5[%dma_start3A_108, %dma_start3A_109] : memref<9x128xi32, #tpu.memory_space<vmem>> -> memref<1x128xi32, #tpu.memory_space<vmem>>
      %dma_start3A_111 = tpu.memref_squeeze %dma_start3A_110 : memref<1x128xi32, #tpu.memory_space<vmem>> -> memref<128xi32, #tpu.memory_space<vmem>>
      %dma_start3A_112 = tpu.memref_slice %arg2[%add3A_107] : memref<900000xi32, #tpu.memory_space<hbm>> -> memref<128xi32, #tpu.memory_space<hbm>>
      %dma_start3A_113 = arith.constant 0 : i32
      %dma_start3A_114 = tpu.memref_slice %arg5[%dma_start3A_108, %dma_start3A_113] : memref<9x128xi32, #tpu.memory_space<vmem>> -> memref<1x128xi32, #tpu.memory_space<vmem>>
      %dma_start3A_115 = tpu.memref_squeeze %dma_start3A_114 : memref<1x128xi32, #tpu.memory_space<vmem>> -> memref<128xi32, #tpu.memory_space<vmem>>
      %dma_start3A_116 = tpu.memref_slice %arg2[%add3A_107] : memref<900000xi32, #tpu.memory_space<hbm>> -> memref<128xi32, #tpu.memory_space<hbm>>
      tpu.enqueue_dma source(%dma_start3A_116 : memref<128xi32, #tpu.memory_space<hbm>>) target(%dma_start3A_115 : memref<128xi32, #tpu.memory_space<vmem>>) target_semaphore(%arg7 : memref<!tpu.dma_semaphore, #tpu.memory_space<semaphore_mem>>)
      %add3A_117 = arith.constant 700000 : i32
      %add3A_118 = arith.addi %add3A_117, %select_n3A_40 : i32
      %dma_start3A_119 = arith.constant 7 : i32
      %dma_start3A_120 = arith.constant 0 : i32
      %dma_start3A_121 = tpu.memref_slice %arg5[%dma_start3A_119, %dma_start3A_120] : memref<9x128xi32, #tpu.memory_space<vmem>> -> memref<1x128xi32, #tpu.memory_space<vmem>>
      %dma_start3A_122 = tpu.memref_squeeze %dma_start3A_121 : memref<1x128xi32, #tpu.memory_space<vmem>> -> memref<128xi32, #tpu.memory_space<vmem>>
      %dma_start3A_123 = tpu.memref_slice %arg2[%add3A_118] : memref<900000xi32, #tpu.memory_space<hbm>> -> memref<128xi32, #tpu.memory_space<hbm>>
      %dma_start3A_124 = arith.constant 0 : i32
      %dma_start3A_125 = tpu.memref_slice %arg5[%dma_start3A_119, %dma_start3A_124] : memref<9x128xi32, #tpu.memory_space<vmem>> -> memref<1x128xi32, #tpu.memory_space<vmem>>
      %dma_start3A_126 = tpu.memref_squeeze %dma_start3A_125 : memref<1x128xi32, #tpu.memory_space<vmem>> -> memref<128xi32, #tpu.memory_space<vmem>>
      %dma_start3A_127 = tpu.memref_slice %arg2[%add3A_118] : memref<900000xi32, #tpu.memory_space<hbm>> -> memref<128xi32, #tpu.memory_space<hbm>>
      tpu.enqueue_dma source(%dma_start3A_127 : memref<128xi32, #tpu.memory_space<hbm>>) target(%dma_start3A_126 : memref<128xi32, #tpu.memory_space<vmem>>) target_semaphore(%arg7 : memref<!tpu.dma_semaphore, #tpu.memory_space<semaphore_mem>>)
      %add3A_128 = arith.constant 800000 : i32
      %add3A_129 = arith.addi %add3A_128, %select_n3A_40 : i32
      %dma_start3A_130 = arith.constant 8 : i32
      %dma_start3A_131 = arith.constant 0 : i32
      %dma_start3A_132 = tpu.memref_slice %arg5[%dma_start3A_130, %dma_start3A_131] : memref<9x128xi32, #tpu.memory_space<vmem>> -> memref<1x128xi32, #tpu.memory_space<vmem>>
      %dma_start3A_133 = tpu.memref_squeeze %dma_start3A_132 : memref<1x128xi32, #tpu.memory_space<vmem>> -> memref<128xi32, #tpu.memory_space<vmem>>
      %dma_start3A_134 = tpu.memref_slice %arg2[%add3A_129] : memref<900000xi32, #tpu.memory_space<hbm>> -> memref<128xi32, #tpu.memory_space<hbm>>
      %dma_start3A_135 = arith.constant 0 : i32
      %dma_start3A_136 = tpu.memref_slice %arg5[%dma_start3A_130, %dma_start3A_135] : memref<9x128xi32, #tpu.memory_space<vmem>> -> memref<1x128xi32, #tpu.memory_space<vmem>>
      %dma_start3A_137 = tpu.memref_squeeze %dma_start3A_136 : memref<1x128xi32, #tpu.memory_space<vmem>> -> memref<128xi32, #tpu.memory_space<vmem>>
      %dma_start3A_138 = tpu.memref_slice %arg2[%add3A_129] : memref<900000xi32, #tpu.memory_space<hbm>> -> memref<128xi32, #tpu.memory_space<hbm>>
      tpu.enqueue_dma source(%dma_start3A_138 : memref<128xi32, #tpu.memory_space<hbm>>) target(%dma_start3A_137 : memref<128xi32, #tpu.memory_space<vmem>>) target_semaphore(%arg7 : memref<!tpu.dma_semaphore, #tpu.memory_space<semaphore_mem>>)
      %add3A_139 = arith.constant 0 : i32
      %add3A_140 = arith.addi %add3A_139, %select_n3A_40 : i32
      %dma_wait3A = arith.constant 0 : i32
      %dma_wait3A_141 = arith.constant 0 : i32
      %dma_wait3A_142 = tpu.memref_slice %arg5[%dma_wait3A, %dma_wait3A_141] : memref<9x128xi32, #tpu.memory_space<vmem>> -> memref<1x128xi32, #tpu.memory_space<vmem>>
      %dma_wait3A_143 = tpu.memref_squeeze %dma_wait3A_142 : memref<1x128xi32, #tpu.memory_space<vmem>> -> memref<128xi32, #tpu.memory_space<vmem>>
      %dma_wait3A_144 = tpu.memref_slice %arg2[%add3A_140] : memref<900000xi32, #tpu.memory_space<hbm>> -> memref<128xi32, #tpu.memory_space<hbm>>
      %dma_wait3A_145 = arith.constant 0 : i32
      %dma_wait3A_146 = tpu.memref_slice %arg5[%dma_wait3A, %dma_wait3A_145] : memref<9x128xi32, #tpu.memory_space<vmem>> -> memref<1x128xi32, #tpu.memory_space<vmem>>
      %dma_wait3A_147 = tpu.memref_squeeze %dma_wait3A_146 : memref<1x128xi32, #tpu.memory_space<vmem>> -> memref<128xi32, #tpu.memory_space<vmem>>
      %dma_wait3A_148 = tpu.memref_slice %arg2[%add3A_140] : memref<900000xi32, #tpu.memory_space<hbm>> -> memref<128xi32, #tpu.memory_space<hbm>>
      tpu.wait_dma2 semaphore(%arg7 : memref<!tpu.dma_semaphore, #tpu.memory_space<semaphore_mem>>) src(%dma_wait3A_148 : memref<128xi32, #tpu.memory_space<hbm>>) dst(%dma_wait3A_147 : memref<128xi32, #tpu.memory_space<vmem>>)
      %add3A_149 = arith.constant 100000 : i32
      %add3A_150 = arith.addi %add3A_149, %select_n3A_40 : i32
      %dma_wait3A_151 = arith.constant 1 : i32
      %dma_wait3A_152 = arith.constant 0 : i32
      %dma_wait3A_153 = tpu.memref_slice %arg5[%dma_wait3A_151, %dma_wait3A_152] : memref<9x128xi32, #tpu.memory_space<vmem>> -> memref<1x128xi32, #tpu.memory_space<vmem>>
      %dma_wait3A_154 = tpu.memref_squeeze %dma_wait3A_153 : memref<1x128xi32, #tpu.memory_space<vmem>> -> memref<128xi32, #tpu.memory_space<vmem>>
      %dma_wait3A_155 = tpu.memref_slice %arg2[%add3A_150] : memref<900000xi32, #tpu.memory_space<hbm>> -> memref<128xi32, #tpu.memory_space<hbm>>
      %dma_wait3A_156 = arith.constant 0 : i32
      %dma_wait3A_157 = tpu.memref_slice %arg5[%dma_wait3A_151, %dma_wait3A_156] : memref<9x128xi32, #tpu.memory_space<vmem>> -> memref<1x128xi32, #tpu.memory_space<vmem>>
      %dma_wait3A_158 = tpu.memref_squeeze %dma_wait3A_157 : memref<1x128xi32, #tpu.memory_space<vmem>> -> memref<128xi32, #tpu.memory_space<vmem>>
      %dma_wait3A_159 = tpu.memref_slice %arg2[%add3A_150] : memref<900000xi32, #tpu.memory_space<hbm>> -> memref<128xi32, #tpu.memory_space<hbm>>
      tpu.wait_dma2 semaphore(%arg7 : memref<!tpu.dma_semaphore, #tpu.memory_space<semaphore_mem>>) src(%dma_wait3A_159 : memref<128xi32, #tpu.memory_space<hbm>>) dst(%dma_wait3A_158 : memref<128xi32, #tpu.memory_space<vmem>>)
      %add3A_160 = arith.constant 200000 : i32
      %add3A_161 = arith.addi %add3A_160, %select_n3A_40 : i32
      %dma_wait3A_162 = arith.constant 2 : i32
      %dma_wait3A_163 = arith.constant 0 : i32
      %dma_wait3A_164 = tpu.memref_slice %arg5[%dma_wait3A_162, %dma_wait3A_163] : memref<9x128xi32, #tpu.memory_space<vmem>> -> memref<1x128xi32, #tpu.memory_space<vmem>>
      %dma_wait3A_165 = tpu.memref_squeeze %dma_wait3A_164 : memref<1x128xi32, #tpu.memory_space<vmem>> -> memref<128xi32, #tpu.memory_space<vmem>>
      %dma_wait3A_166 = tpu.memref_slice %arg2[%add3A_161] : memref<900000xi32, #tpu.memory_space<hbm>> -> memref<128xi32, #tpu.memory_space<hbm>>
      %dma_wait3A_167 = arith.constant 0 : i32
      %dma_wait3A_168 = tpu.memref_slice %arg5[%dma_wait3A_162, %dma_wait3A_167] : memref<9x128xi32, #tpu.memory_space<vmem>> -> memref<1x128xi32, #tpu.memory_space<vmem>>
      %dma_wait3A_169 = tpu.memref_squeeze %dma_wait3A_168 : memref<1x128xi32, #tpu.memory_space<vmem>> -> memref<128xi32, #tpu.memory_space<vmem>>
      %dma_wait3A_170 = tpu.memref_slice %arg2[%add3A_161] : memref<900000xi32, #tpu.memory_space<hbm>> -> memref<128xi32, #tpu.memory_space<hbm>>
      tpu.wait_dma2 semaphore(%arg7 : memref<!tpu.dma_semaphore, #tpu.memory_space<semaphore_mem>>) src(%dma_wait3A_170 : memref<128xi32, #tpu.memory_space<hbm>>) dst(%dma_wait3A_169 : memref<128xi32, #tpu.memory_space<vmem>>)
      %add3A_171 = arith.constant 300000 : i32
      %add3A_172 = arith.addi %add3A_171, %select_n3A_40 : i32
      %dma_wait3A_173 = arith.constant 3 : i32
      %dma_wait3A_174 = arith.constant 0 : i32
      %dma_wait3A_175 = tpu.memref_slice %arg5[%dma_wait3A_173, %dma_wait3A_174] : memref<9x128xi32, #tpu.memory_space<vmem>> -> memref<1x128xi32, #tpu.memory_space<vmem>>
      %dma_wait3A_176 = tpu.memref_squeeze %dma_wait3A_175 : memref<1x128xi32, #tpu.memory_space<vmem>> -> memref<128xi32, #tpu.memory_space<vmem>>
      %dma_wait3A_177 = tpu.memref_slice %arg2[%add3A_172] : memref<900000xi32, #tpu.memory_space<hbm>> -> memref<128xi32, #tpu.memory_space<hbm>>
      %dma_wait3A_178 = arith.constant 0 : i32
      %dma_wait3A_179 = tpu.memref_slice %arg5[%dma_wait3A_173, %dma_wait3A_178] : memref<9x128xi32, #tpu.memory_space<vmem>> -> memref<1x128xi32, #tpu.memory_space<vmem>>
      %dma_wait3A_180 = tpu.memref_squeeze %dma_wait3A_179 : memref<1x128xi32, #tpu.memory_space<vmem>> -> memref<128xi32, #tpu.memory_space<vmem>>
      %dma_wait3A_181 = tpu.memref_slice %arg2[%add3A_172] : memref<900000xi32, #tpu.memory_space<hbm>> -> memref<128xi32, #tpu.memory_space<hbm>>
      tpu.wait_dma2 semaphore(%arg7 : memref<!tpu.dma_semaphore, #tpu.memory_space<semaphore_mem>>) src(%dma_wait3A_181 : memref<128xi32, #tpu.memory_space<hbm>>) dst(%dma_wait3A_180 : memref<128xi32, #tpu.memory_space<vmem>>)
      %add3A_182 = arith.constant 400000 : i32
      %add3A_183 = arith.addi %add3A_182, %select_n3A_40 : i32
      %dma_wait3A_184 = arith.constant 4 : i32
      %dma_wait3A_185 = arith.constant 0 : i32
      %dma_wait3A_186 = tpu.memref_slice %arg5[%dma_wait3A_184, %dma_wait3A_185] : memref<9x128xi32, #tpu.memory_space<vmem>> -> memref<1x128xi32, #tpu.memory_space<vmem>>
      %dma_wait3A_187 = tpu.memref_squeeze %dma_wait3A_186 : memref<1x128xi32, #tpu.memory_space<vmem>> -> memref<128xi32, #tpu.memory_space<vmem>>
      %dma_wait3A_188 = tpu.memref_slice %arg2[%add3A_183] : memref<900000xi32, #tpu.memory_space<hbm>> -> memref<128xi32, #tpu.memory_space<hbm>>
      %dma_wait3A_189 = arith.constant 0 : i32
      %dma_wait3A_190 = tpu.memref_slice %arg5[%dma_wait3A_184, %dma_wait3A_189] : memref<9x128xi32, #tpu.memory_space<vmem>> -> memref<1x128xi32, #tpu.memory_space<vmem>>
      %dma_wait3A_191 = tpu.memref_squeeze %dma_wait3A_190 : memref<1x128xi32, #tpu.memory_space<vmem>> -> memref<128xi32, #tpu.memory_space<vmem>>
      %dma_wait3A_192 = tpu.memref_slice %arg2[%add3A_183] : memref<900000xi32, #tpu.memory_space<hbm>> -> memref<128xi32, #tpu.memory_space<hbm>>
      tpu.wait_dma2 semaphore(%arg7 : memref<!tpu.dma_semaphore, #tpu.memory_space<semaphore_mem>>) src(%dma_wait3A_192 : memref<128xi32, #tpu.memory_space<hbm>>) dst(%dma_wait3A_191 : memref<128xi32, #tpu.memory_space<vmem>>)
      %add3A_193 = arith.constant 500000 : i32
      %add3A_194 = arith.addi %add3A_193, %select_n3A_40 : i32
      %dma_wait3A_195 = arith.constant 5 : i32
      %dma_wait3A_196 = arith.constant 0 : i32
      %dma_wait3A_197 = tpu.memref_slice %arg5[%dma_wait3A_195, %dma_wait3A_196] : memref<9x128xi32, #tpu.memory_space<vmem>> -> memref<1x128xi32, #tpu.memory_space<vmem>>
      %dma_wait3A_198 = tpu.memref_squeeze %dma_wait3A_197 : memref<1x128xi32, #tpu.memory_space<vmem>> -> memref<128xi32, #tpu.memory_space<vmem>>
      %dma_wait3A_199 = tpu.memref_slice %arg2[%add3A_194] : memref<900000xi32, #tpu.memory_space<hbm>> -> memref<128xi32, #tpu.memory_space<hbm>>
      %dma_wait3A_200 = arith.constant 0 : i32
      %dma_wait3A_201 = tpu.memref_slice %arg5[%dma_wait3A_195, %dma_wait3A_200] : memref<9x128xi32, #tpu.memory_space<vmem>> -> memref<1x128xi32, #tpu.memory_space<vmem>>
      %dma_wait3A_202 = tpu.memref_squeeze %dma_wait3A_201 : memref<1x128xi32, #tpu.memory_space<vmem>> -> memref<128xi32, #tpu.memory_space<vmem>>
      %dma_wait3A_203 = tpu.memref_slice %arg2[%add3A_194] : memref<900000xi32, #tpu.memory_space<hbm>> -> memref<128xi32, #tpu.memory_space<hbm>>
      tpu.wait_dma2 semaphore(%arg7 : memref<!tpu.dma_semaphore, #tpu.memory_space<semaphore_mem>>) src(%dma_wait3A_203 : memref<128xi32, #tpu.memory_space<hbm>>) dst(%dma_wait3A_202 : memref<128xi32, #tpu.memory_space<vmem>>)
      %add3A_204 = arith.constant 600000 : i32
      %add3A_205 = arith.addi %add3A_204, %select_n3A_40 : i32
      %dma_wait3A_206 = arith.constant 6 : i32
      %dma_wait3A_207 = arith.constant 0 : i32
      %dma_wait3A_208 = tpu.memref_slice %arg5[%dma_wait3A_206, %dma_wait3A_207] : memref<9x128xi32, #tpu.memory_space<vmem>> -> memref<1x128xi32, #tpu.memory_space<vmem>>
      %dma_wait3A_209 = tpu.memref_squeeze %dma_wait3A_208 : memref<1x128xi32, #tpu.memory_space<vmem>> -> memref<128xi32, #tpu.memory_space<vmem>>
      %dma_wait3A_210 = tpu.memref_slice %arg2[%add3A_205] : memref<900000xi32, #tpu.memory_space<hbm>> -> memref<128xi32, #tpu.memory_space<hbm>>
      %dma_wait3A_211 = arith.constant 0 : i32
      %dma_wait3A_212 = tpu.memref_slice %arg5[%dma_wait3A_206, %dma_wait3A_211] : memref<9x128xi32, #tpu.memory_space<vmem>> -> memref<1x128xi32, #tpu.memory_space<vmem>>
      %dma_wait3A_213 = tpu.memref_squeeze %dma_wait3A_212 : memref<1x128xi32, #tpu.memory_space<vmem>> -> memref<128xi32, #tpu.memory_space<vmem>>
      %dma_wait3A_214 = tpu.memref_slice %arg2[%add3A_205] : memref<900000xi32, #tpu.memory_space<hbm>> -> memref<128xi32, #tpu.memory_space<hbm>>
      tpu.wait_dma2 semaphore(%arg7 : memref<!tpu.dma_semaphore, #tpu.memory_space<semaphore_mem>>) src(%dma_wait3A_214 : memref<128xi32, #tpu.memory_space<hbm>>) dst(%dma_wait3A_213 : memref<128xi32, #tpu.memory_space<vmem>>)
      %add3A_215 = arith.constant 700000 : i32
      %add3A_216 = arith.addi %add3A_215, %select_n3A_40 : i32
      %dma_wait3A_217 = arith.constant 7 : i32
      %dma_wait3A_218 = arith.constant 0 : i32
      %dma_wait3A_219 = tpu.memref_slice %arg5[%dma_wait3A_217, %dma_wait3A_218] : memref<9x128xi32, #tpu.memory_space<vmem>> -> memref<1x128xi32, #tpu.memory_space<vmem>>
      %dma_wait3A_220 = tpu.memref_squeeze %dma_wait3A_219 : memref<1x128xi32, #tpu.memory_space<vmem>> -> memref<128xi32, #tpu.memory_space<vmem>>
      %dma_wait3A_221 = tpu.memref_slice %arg2[%add3A_216] : memref<900000xi32, #tpu.memory_space<hbm>> -> memref<128xi32, #tpu.memory_space<hbm>>
      %dma_wait3A_222 = arith.constant 0 : i32
      %dma_wait3A_223 = tpu.memref_slice %arg5[%dma_wait3A_217, %dma_wait3A_222] : memref<9x128xi32, #tpu.memory_space<vmem>> -> memref<1x128xi32, #tpu.memory_space<vmem>>
      %dma_wait3A_224 = tpu.memref_squeeze %dma_wait3A_223 : memref<1x128xi32, #tpu.memory_space<vmem>> -> memref<128xi32, #tpu.memory_space<vmem>>
      %dma_wait3A_225 = tpu.memref_slice %arg2[%add3A_216] : memref<900000xi32, #tpu.memory_space<hbm>> -> memref<128xi32, #tpu.memory_space<hbm>>
      tpu.wait_dma2 semaphore(%arg7 : memref<!tpu.dma_semaphore, #tpu.memory_space<semaphore_mem>>) src(%dma_wait3A_225 : memref<128xi32, #tpu.memory_space<hbm>>) dst(%dma_wait3A_224 : memref<128xi32, #tpu.memory_space<vmem>>)
      %add3A_226 = arith.constant 800000 : i32
      %add3A_227 = arith.addi %add3A_226, %select_n3A_40 : i32
      %dma_wait3A_228 = arith.constant 8 : i32
      %dma_wait3A_229 = arith.constant 0 : i32
      %dma_wait3A_230 = tpu.memref_slice %arg5[%dma_wait3A_228, %dma_wait3A_229] : memref<9x128xi32, #tpu.memory_space<vmem>> -> memref<1x128xi32, #tpu.memory_space<vmem>>
      %dma_wait3A_231 = tpu.memref_squeeze %dma_wait3A_230 : memref<1x128xi32, #tpu.memory_space<vmem>> -> memref<128xi32, #tpu.memory_space<vmem>>
      %dma_wait3A_232 = tpu.memref_slice %arg2[%add3A_227] : memref<900000xi32, #tpu.memory_space<hbm>> -> memref<128xi32, #tpu.memory_space<hbm>>
      %dma_wait3A_233 = arith.constant 0 : i32
      %dma_wait3A_234 = tpu.memref_slice %arg5[%dma_wait3A_228, %dma_wait3A_233] : memref<9x128xi32, #tpu.memory_space<vmem>> -> memref<1x128xi32, #tpu.memory_space<vmem>>
      %dma_wait3A_235 = tpu.memref_squeeze %dma_wait3A_234 : memref<1x128xi32, #tpu.memory_space<vmem>> -> memref<128xi32, #tpu.memory_space<vmem>>
      %dma_wait3A_236 = tpu.memref_slice %arg2[%add3A_227] : memref<900000xi32, #tpu.memory_space<hbm>> -> memref<128xi32, #tpu.memory_space<hbm>>
      tpu.wait_dma2 semaphore(%arg7 : memref<!tpu.dma_semaphore, #tpu.memory_space<semaphore_mem>>) src(%dma_wait3A_236 : memref<128xi32, #tpu.memory_space<hbm>>) dst(%dma_wait3A_235 : memref<128xi32, #tpu.memory_space<vmem>>)
      %dma_start3A_237 = arith.constant 0 : i32
      %dma_start3A_238 = arith.constant 0 : i32
      %dma_start3A_239 = arith.constant 0 : i32
      %dma_start3A_240 = tpu.memref_slice %arg5[%dma_start3A_238, %dma_start3A_239] : memref<9x128xi32, #tpu.memory_space<vmem>> -> memref<1x128xi32, #tpu.memory_space<vmem>>
      %dma_start3A_241 = tpu.memref_squeeze %dma_start3A_240 : memref<1x128xi32, #tpu.memory_space<vmem>> -> memref<128xi32, #tpu.memory_space<vmem>>
      %dma_start3A_242 = arith.constant 0 : i32
      %dma_start3A_243 = arith.constant 0 : i32
      %dma_start3A_244 = tpu.memref_slice %arg3[%dma_start3A_237, %dma_start3A_242, %dma_start3A_243] : memref<9x124x128xf32, #tpu.memory_space<hbm>> -> memref<1x124x128xf32, #tpu.memory_space<hbm>>
      %dma_start3A_245 = tpu.memref_squeeze %dma_start3A_244 : memref<1x124x128xf32, #tpu.memory_space<hbm>> -> memref<124x128xf32, #tpu.memory_space<hbm>>
      %dma_start3A_246 = arith.constant 0 : i32
      %dma_start3A_247 = arith.constant 0 : i32
      %dma_start3A_248 = tpu.memref_slice %dma_start3A_245[%dma_start3A_246, %dma_start3A_247] : memref<124x128xf32, #tpu.memory_space<hbm>> -> memref<124x128xf32, #tpu.memory_space<hbm>>
      tpu.enqueue_indirect_dma source(%dma_start3A_248 : memref<124x128xf32, #tpu.memory_space<hbm>>) target(%arg6 : memref<128x128xf32, #tpu.memory_space<vmem>>) offsets(%dma_start3A_241 : memref<128xi32, #tpu.memory_space<vmem>>) semaphore(%arg8 : memref<!tpu.dma_semaphore, #tpu.memory_space<semaphore_mem>>)
      %dma_wait3A_249 = arith.constant 0 : i32
      %dma_wait3A_250 = arith.constant 0 : i32
      %dma_wait3A_251 = arith.constant 0 : i32
      %dma_wait3A_252 = tpu.memref_slice %arg5[%dma_wait3A_250, %dma_wait3A_251] : memref<9x128xi32, #tpu.memory_space<vmem>> -> memref<1x128xi32, #tpu.memory_space<vmem>>
      %dma_wait3A_253 = tpu.memref_squeeze %dma_wait3A_252 : memref<1x128xi32, #tpu.memory_space<vmem>> -> memref<128xi32, #tpu.memory_space<vmem>>
      %dma_wait3A_254 = arith.constant 0 : i32
      %dma_wait3A_255 = arith.constant 0 : i32
      %dma_wait3A_256 = tpu.memref_slice %arg3[%dma_wait3A_249, %dma_wait3A_254, %dma_wait3A_255] : memref<9x124x128xf32, #tpu.memory_space<hbm>> -> memref<1x124x128xf32, #tpu.memory_space<hbm>>
      %dma_wait3A_257 = tpu.memref_squeeze %dma_wait3A_256 : memref<1x124x128xf32, #tpu.memory_space<hbm>> -> memref<124x128xf32, #tpu.memory_space<hbm>>
      %dma_wait3A_258 = arith.constant 0 : i32
      %dma_wait3A_259 = arith.constant 0 : i32
      %dma_wait3A_260 = tpu.memref_slice %dma_wait3A_257[%dma_wait3A_258, %dma_wait3A_259] : memref<124x128xf32, #tpu.memory_space<hbm>> -> memref<124x128xf32, #tpu.memory_space<hbm>>
      tpu.wait_indirect_dma semaphore(%arg8 : memref<!tpu.dma_semaphore, #tpu.memory_space<semaphore_mem>>) src(%dma_wait3A_260 : memref<124x128xf32, #tpu.memory_space<hbm>>) dst(%arg6 : memref<128x128xf32, #tpu.memory_space<vmem>>)
      %dma_start3A_261 = arith.constant 1 : i32
      %dma_start3A_262 = arith.constant 1 : i32
      %dma_start3A_263 = arith.constant 0 : i32
      %dma_start3A_264 = tpu.memref_slice %arg5[%dma_start3A_262, %dma_start3A_263] : memref<9x128xi32, #tpu.memory_space<vmem>> -> memref<1x128xi32, #tpu.memory_space<vmem>>
      %dma_start3A_265 = tpu.memref_squeeze %dma_start3A_264 : memref<1x128xi32, #tpu.memory_space<vmem>> -> memref<128xi32, #tpu.memory_space<vmem>>
      %dma_start3A_266 = arith.constant 0 : i32
      %dma_start3A_267 = arith.constant 0 : i32
      %dma_start3A_268 = tpu.memref_slice %arg3[%dma_start3A_261, %dma_start3A_266, %dma_start3A_267] : memref<9x124x128xf32, #tpu.memory_space<hbm>> -> memref<1x124x128xf32, #tpu.memory_space<hbm>>
      %dma_start3A_269 = tpu.memref_squeeze %dma_start3A_268 : memref<1x124x128xf32, #tpu.memory_space<hbm>> -> memref<124x128xf32, #tpu.memory_space<hbm>>
      %dma_start3A_270 = arith.constant 0 : i32
      %dma_start3A_271 = arith.constant 0 : i32
      %dma_start3A_272 = tpu.memref_slice %dma_start3A_269[%dma_start3A_270, %dma_start3A_271] : memref<124x128xf32, #tpu.memory_space<hbm>> -> memref<124x128xf32, #tpu.memory_space<hbm>>
      tpu.enqueue_indirect_dma source(%dma_start3A_272 : memref<124x128xf32, #tpu.memory_space<hbm>>) target(%arg6 : memref<128x128xf32, #tpu.memory_space<vmem>>) offsets(%dma_start3A_265 : memref<128xi32, #tpu.memory_space<vmem>>) semaphore(%arg8 : memref<!tpu.dma_semaphore, #tpu.memory_space<semaphore_mem>>) {add = true}
      %dma_wait3A_273 = arith.constant 1 : i32
      %dma_wait3A_274 = arith.constant 1 : i32
      %dma_wait3A_275 = arith.constant 0 : i32
      %dma_wait3A_276 = tpu.memref_slice %arg5[%dma_wait3A_274, %dma_wait3A_275] : memref<9x128xi32, #tpu.memory_space<vmem>> -> memref<1x128xi32, #tpu.memory_space<vmem>>
      %dma_wait3A_277 = tpu.memref_squeeze %dma_wait3A_276 : memref<1x128xi32, #tpu.memory_space<vmem>> -> memref<128xi32, #tpu.memory_space<vmem>>
      %dma_wait3A_278 = arith.constant 0 : i32
      %dma_wait3A_279 = arith.constant 0 : i32
      %dma_wait3A_280 = tpu.memref_slice %arg3[%dma_wait3A_273, %dma_wait3A_278, %dma_wait3A_279] : memref<9x124x128xf32, #tpu.memory_space<hbm>> -> memref<1x124x128xf32, #tpu.memory_space<hbm>>
      %dma_wait3A_281 = tpu.memref_squeeze %dma_wait3A_280 : memref<1x124x128xf32, #tpu.memory_space<hbm>> -> memref<124x128xf32, #tpu.memory_space<hbm>>
      %dma_wait3A_282 = arith.constant 0 : i32
      %dma_wait3A_283 = arith.constant 0 : i32
      %dma_wait3A_284 = tpu.memref_slice %dma_wait3A_281[%dma_wait3A_282, %dma_wait3A_283] : memref<124x128xf32, #tpu.memory_space<hbm>> -> memref<124x128xf32, #tpu.memory_space<hbm>>
      tpu.wait_indirect_dma semaphore(%arg8 : memref<!tpu.dma_semaphore, #tpu.memory_space<semaphore_mem>>) src(%dma_wait3A_284 : memref<124x128xf32, #tpu.memory_space<hbm>>) dst(%arg6 : memref<128x128xf32, #tpu.memory_space<vmem>>)
      %dma_start3A_285 = arith.constant 2 : i32
      %dma_start3A_286 = arith.constant 2 : i32
      %dma_start3A_287 = arith.constant 0 : i32
      %dma_start3A_288 = tpu.memref_slice %arg5[%dma_start3A_286, %dma_start3A_287] : memref<9x128xi32, #tpu.memory_space<vmem>> -> memref<1x128xi32, #tpu.memory_space<vmem>>
      %dma_start3A_289 = tpu.memref_squeeze %dma_start3A_288 : memref<1x128xi32, #tpu.memory_space<vmem>> -> memref<128xi32, #tpu.memory_space<vmem>>
      %dma_start3A_290 = arith.constant 0 : i32
      %dma_start3A_291 = arith.constant 0 : i32
      %dma_start3A_292 = tpu.memref_slice %arg3[%dma_start3A_285, %dma_start3A_290, %dma_start3A_291] : memref<9x124x128xf32, #tpu.memory_space<hbm>> -> memref<1x124x128xf32, #tpu.memory_space<hbm>>
      %dma_start3A_293 = tpu.memref_squeeze %dma_start3A_292 : memref<1x124x128xf32, #tpu.memory_space<hbm>> -> memref<124x128xf32, #tpu.memory_space<hbm>>
      %dma_start3A_294 = arith.constant 0 : i32
      %dma_start3A_295 = arith.constant 0 : i32
      %dma_start3A_296 = tpu.memref_slice %dma_start3A_293[%dma_start3A_294, %dma_start3A_295] : memref<124x128xf32, #tpu.memory_space<hbm>> -> memref<124x128xf32, #tpu.memory_space<hbm>>
      tpu.enqueue_indirect_dma source(%dma_start3A_296 : memref<124x128xf32, #tpu.memory_space<hbm>>) target(%arg6 : memref<128x128xf32, #tpu.memory_space<vmem>>) offsets(%dma_start3A_289 : memref<128xi32, #tpu.memory_space<vmem>>) semaphore(%arg8 : memref<!tpu.dma_semaphore, #tpu.memory_space<semaphore_mem>>) {add = true}
      %dma_wait3A_297 = arith.constant 2 : i32
      %dma_wait3A_298 = arith.constant 2 : i32
      %dma_wait3A_299 = arith.constant 0 : i32
      %dma_wait3A_300 = tpu.memref_slice %arg5[%dma_wait3A_298, %dma_wait3A_299] : memref<9x128xi32, #tpu.memory_space<vmem>> -> memref<1x128xi32, #tpu.memory_space<vmem>>
      %dma_wait3A_301 = tpu.memref_squeeze %dma_wait3A_300 : memref<1x128xi32, #tpu.memory_space<vmem>> -> memref<128xi32, #tpu.memory_space<vmem>>
      %dma_wait3A_302 = arith.constant 0 : i32
      %dma_wait3A_303 = arith.constant 0 : i32
      %dma_wait3A_304 = tpu.memref_slice %arg3[%dma_wait3A_297, %dma_wait3A_302, %dma_wait3A_303] : memref<9x124x128xf32, #tpu.memory_space<hbm>> -> memref<1x124x128xf32, #tpu.memory_space<hbm>>
      %dma_wait3A_305 = tpu.memref_squeeze %dma_wait3A_304 : memref<1x124x128xf32, #tpu.memory_space<hbm>> -> memref<124x128xf32, #tpu.memory_space<hbm>>
      %dma_wait3A_306 = arith.constant 0 : i32
      %dma_wait3A_307 = arith.constant 0 : i32
      %dma_wait3A_308 = tpu.memref_slice %dma_wait3A_305[%dma_wait3A_306, %dma_wait3A_307] : memref<124x128xf32, #tpu.memory_space<hbm>> -> memref<124x128xf32, #tpu.memory_space<hbm>>
      tpu.wait_indirect_dma semaphore(%arg8 : memref<!tpu.dma_semaphore, #tpu.memory_space<semaphore_mem>>) src(%dma_wait3A_308 : memref<124x128xf32, #tpu.memory_space<hbm>>) dst(%arg6 : memref<128x128xf32, #tpu.memory_space<vmem>>)
      %dma_start3A_309 = arith.constant 3 : i32
      %dma_start3A_310 = arith.constant 3 : i32
      %dma_start3A_311 = arith.constant 0 : i32
      %dma_start3A_312 = tpu.memref_slice %arg5[%dma_start3A_310, %dma_start3A_311] : memref<9x128xi32, #tpu.memory_space<vmem>> -> memref<1x128xi32, #tpu.memory_space<vmem>>
      %dma_start3A_313 = tpu.memref_squeeze %dma_start3A_312 : memref<1x128xi32, #tpu.memory_space<vmem>> -> memref<128xi32, #tpu.memory_space<vmem>>
      %dma_start3A_314 = arith.constant 0 : i32
      %dma_start3A_315 = arith.constant 0 : i32
      %dma_start3A_316 = tpu.memref_slice %arg3[%dma_start3A_309, %dma_start3A_314, %dma_start3A_315] : memref<9x124x128xf32, #tpu.memory_space<hbm>> -> memref<1x124x128xf32, #tpu.memory_space<hbm>>
      %dma_start3A_317 = tpu.memref_squeeze %dma_start3A_316 : memref<1x124x128xf32, #tpu.memory_space<hbm>> -> memref<124x128xf32, #tpu.memory_space<hbm>>
      %dma_start3A_318 = arith.constant 0 : i32
      %dma_start3A_319 = arith.constant 0 : i32
      %dma_start3A_320 = tpu.memref_slice %dma_start3A_317[%dma_start3A_318, %dma_start3A_319] : memref<124x128xf32, #tpu.memory_space<hbm>> -> memref<124x128xf32, #tpu.memory_space<hbm>>
      tpu.enqueue_indirect_dma source(%dma_start3A_320 : memref<124x128xf32, #tpu.memory_space<hbm>>) target(%arg6 : memref<128x128xf32, #tpu.memory_space<vmem>>) offsets(%dma_start3A_313 : memref<128xi32, #tpu.memory_space<vmem>>) semaphore(%arg8 : memref<!tpu.dma_semaphore, #tpu.memory_space<semaphore_mem>>) {add = true}
      %dma_wait3A_321 = arith.constant 3 : i32
      %dma_wait3A_322 = arith.constant 3 : i32
      %dma_wait3A_323 = arith.constant 0 : i32
      %dma_wait3A_324 = tpu.memref_slice %arg5[%dma_wait3A_322, %dma_wait3A_323] : memref<9x128xi32, #tpu.memory_space<vmem>> -> memref<1x128xi32, #tpu.memory_space<vmem>>
      %dma_wait3A_325 = tpu.memref_squeeze %dma_wait3A_324 : memref<1x128xi32, #tpu.memory_space<vmem>> -> memref<128xi32, #tpu.memory_space<vmem>>
      %dma_wait3A_326 = arith.constant 0 : i32
      %dma_wait3A_327 = arith.constant 0 : i32
      %dma_wait3A_328 = tpu.memref_slice %arg3[%dma_wait3A_321, %dma_wait3A_326, %dma_wait3A_327] : memref<9x124x128xf32, #tpu.memory_space<hbm>> -> memref<1x124x128xf32, #tpu.memory_space<hbm>>
      %dma_wait3A_329 = tpu.memref_squeeze %dma_wait3A_328 : memref<1x124x128xf32, #tpu.memory_space<hbm>> -> memref<124x128xf32, #tpu.memory_space<hbm>>
      %dma_wait3A_330 = arith.constant 0 : i32
      %dma_wait3A_331 = arith.constant 0 : i32
      %dma_wait3A_332 = tpu.memref_slice %dma_wait3A_329[%dma_wait3A_330, %dma_wait3A_331] : memref<124x128xf32, #tpu.memory_space<hbm>> -> memref<124x128xf32, #tpu.memory_space<hbm>>
      tpu.wait_indirect_dma semaphore(%arg8 : memref<!tpu.dma_semaphore, #tpu.memory_space<semaphore_mem>>) src(%dma_wait3A_332 : memref<124x128xf32, #tpu.memory_space<hbm>>) dst(%arg6 : memref<128x128xf32, #tpu.memory_space<vmem>>)
      %dma_start3A_333 = arith.constant 4 : i32
      %dma_start3A_334 = arith.constant 4 : i32
      %dma_start3A_335 = arith.constant 0 : i32
      %dma_start3A_336 = tpu.memref_slice %arg5[%dma_start3A_334, %dma_start3A_335] : memref<9x128xi32, #tpu.memory_space<vmem>> -> memref<1x128xi32, #tpu.memory_space<vmem>>
      %dma_start3A_337 = tpu.memref_squeeze %dma_start3A_336 : memref<1x128xi32, #tpu.memory_space<vmem>> -> memref<128xi32, #tpu.memory_space<vmem>>
      %dma_start3A_338 = arith.constant 0 : i32
      %dma_start3A_339 = arith.constant 0 : i32
      %dma_start3A_340 = tpu.memref_slice %arg3[%dma_start3A_333, %dma_start3A_338, %dma_start3A_339] : memref<9x124x128xf32, #tpu.memory_space<hbm>> -> memref<1x124x128xf32, #tpu.memory_space<hbm>>
      %dma_start3A_341 = tpu.memref_squeeze %dma_start3A_340 : memref<1x124x128xf32, #tpu.memory_space<hbm>> -> memref<124x128xf32, #tpu.memory_space<hbm>>
      %dma_start3A_342 = arith.constant 0 : i32
      %dma_start3A_343 = arith.constant 0 : i32
      %dma_start3A_344 = tpu.memref_slice %dma_start3A_341[%dma_start3A_342, %dma_start3A_343] : memref<124x128xf32, #tpu.memory_space<hbm>> -> memref<124x128xf32, #tpu.memory_space<hbm>>
      tpu.enqueue_indirect_dma source(%dma_start3A_344 : memref<124x128xf32, #tpu.memory_space<hbm>>) target(%arg6 : memref<128x128xf32, #tpu.memory_space<vmem>>) offsets(%dma_start3A_337 : memref<128xi32, #tpu.memory_space<vmem>>) semaphore(%arg8 : memref<!tpu.dma_semaphore, #tpu.memory_space<semaphore_mem>>) {add = true}
      %dma_wait3A_345 = arith.constant 4 : i32
      %dma_wait3A_346 = arith.constant 4 : i32
      %dma_wait3A_347 = arith.constant 0 : i32
      %dma_wait3A_348 = tpu.memref_slice %arg5[%dma_wait3A_346, %dma_wait3A_347] : memref<9x128xi32, #tpu.memory_space<vmem>> -> memref<1x128xi32, #tpu.memory_space<vmem>>
      %dma_wait3A_349 = tpu.memref_squeeze %dma_wait3A_348 : memref<1x128xi32, #tpu.memory_space<vmem>> -> memref<128xi32, #tpu.memory_space<vmem>>
      %dma_wait3A_350 = arith.constant 0 : i32
      %dma_wait3A_351 = arith.constant 0 : i32
      %dma_wait3A_352 = tpu.memref_slice %arg3[%dma_wait3A_345, %dma_wait3A_350, %dma_wait3A_351] : memref<9x124x128xf32, #tpu.memory_space<hbm>> -> memref<1x124x128xf32, #tpu.memory_space<hbm>>
      %dma_wait3A_353 = tpu.memref_squeeze %dma_wait3A_352 : memref<1x124x128xf32, #tpu.memory_space<hbm>> -> memref<124x128xf32, #tpu.memory_space<hbm>>
      %dma_wait3A_354 = arith.constant 0 : i32
      %dma_wait3A_355 = arith.constant 0 : i32
      %dma_wait3A_356 = tpu.memref_slice %dma_wait3A_353[%dma_wait3A_354, %dma_wait3A_355] : memref<124x128xf32, #tpu.memory_space<hbm>> -> memref<124x128xf32, #tpu.memory_space<hbm>>
      tpu.wait_indirect_dma semaphore(%arg8 : memref<!tpu.dma_semaphore, #tpu.memory_space<semaphore_mem>>) src(%dma_wait3A_356 : memref<124x128xf32, #tpu.memory_space<hbm>>) dst(%arg6 : memref<128x128xf32, #tpu.memory_space<vmem>>)
      %dma_start3A_357 = arith.constant 5 : i32
      %dma_start3A_358 = arith.constant 5 : i32
      %dma_start3A_359 = arith.constant 0 : i32
      %dma_start3A_360 = tpu.memref_slice %arg5[%dma_start3A_358, %dma_start3A_359] : memref<9x128xi32, #tpu.memory_space<vmem>> -> memref<1x128xi32, #tpu.memory_space<vmem>>
      %dma_start3A_361 = tpu.memref_squeeze %dma_start3A_360 : memref<1x128xi32, #tpu.memory_space<vmem>> -> memref<128xi32, #tpu.memory_space<vmem>>
      %dma_start3A_362 = arith.constant 0 : i32
      %dma_start3A_363 = arith.constant 0 : i32
      %dma_start3A_364 = tpu.memref_slice %arg3[%dma_start3A_357, %dma_start3A_362, %dma_start3A_363] : memref<9x124x128xf32, #tpu.memory_space<hbm>> -> memref<1x124x128xf32, #tpu.memory_space<hbm>>
      %dma_start3A_365 = tpu.memref_squeeze %dma_start3A_364 : memref<1x124x128xf32, #tpu.memory_space<hbm>> -> memref<124x128xf32, #tpu.memory_space<hbm>>
      %dma_start3A_366 = arith.constant 0 : i32
      %dma_start3A_367 = arith.constant 0 : i32
      %dma_start3A_368 = tpu.memref_slice %dma_start3A_365[%dma_start3A_366, %dma_start3A_367] : memref<124x128xf32, #tpu.memory_space<hbm>> -> memref<124x128xf32, #tpu.memory_space<hbm>>
      tpu.enqueue_indirect_dma source(%dma_start3A_368 : memref<124x128xf32, #tpu.memory_space<hbm>>) target(%arg6 : memref<128x128xf32, #tpu.memory_space<vmem>>) offsets(%dma_start3A_361 : memref<128xi32, #tpu.memory_space<vmem>>) semaphore(%arg8 : memref<!tpu.dma_semaphore, #tpu.memory_space<semaphore_mem>>) {add = true}
      %dma_wait3A_369 = arith.constant 5 : i32
      %dma_wait3A_370 = arith.constant 5 : i32
      %dma_wait3A_371 = arith.constant 0 : i32
      %dma_wait3A_372 = tpu.memref_slice %arg5[%dma_wait3A_370, %dma_wait3A_371] : memref<9x128xi32, #tpu.memory_space<vmem>> -> memref<1x128xi32, #tpu.memory_space<vmem>>
      %dma_wait3A_373 = tpu.memref_squeeze %dma_wait3A_372 : memref<1x128xi32, #tpu.memory_space<vmem>> -> memref<128xi32, #tpu.memory_space<vmem>>
      %dma_wait3A_374 = arith.constant 0 : i32
      %dma_wait3A_375 = arith.constant 0 : i32
      %dma_wait3A_376 = tpu.memref_slice %arg3[%dma_wait3A_369, %dma_wait3A_374, %dma_wait3A_375] : memref<9x124x128xf32, #tpu.memory_space<hbm>> -> memref<1x124x128xf32, #tpu.memory_space<hbm>>
      %dma_wait3A_377 = tpu.memref_squeeze %dma_wait3A_376 : memref<1x124x128xf32, #tpu.memory_space<hbm>> -> memref<124x128xf32, #tpu.memory_space<hbm>>
      %dma_wait3A_378 = arith.constant 0 : i32
      %dma_wait3A_379 = arith.constant 0 : i32
      %dma_wait3A_380 = tpu.memref_slice %dma_wait3A_377[%dma_wait3A_378, %dma_wait3A_379] : memref<124x128xf32, #tpu.memory_space<hbm>> -> memref<124x128xf32, #tpu.memory_space<hbm>>
      tpu.wait_indirect_dma semaphore(%arg8 : memref<!tpu.dma_semaphore, #tpu.memory_space<semaphore_mem>>) src(%dma_wait3A_380 : memref<124x128xf32, #tpu.memory_space<hbm>>) dst(%arg6 : memref<128x128xf32, #tpu.memory_space<vmem>>)
      %dma_start3A_381 = arith.constant 6 : i32
      %dma_start3A_382 = arith.constant 6 : i32
      %dma_start3A_383 = arith.constant 0 : i32
      %dma_start3A_384 = tpu.memref_slice %arg5[%dma_start3A_382, %dma_start3A_383] : memref<9x128xi32, #tpu.memory_space<vmem>> -> memref<1x128xi32, #tpu.memory_space<vmem>>
      %dma_start3A_385 = tpu.memref_squeeze %dma_start3A_384 : memref<1x128xi32, #tpu.memory_space<vmem>> -> memref<128xi32, #tpu.memory_space<vmem>>
      %dma_start3A_386 = arith.constant 0 : i32
      %dma_start3A_387 = arith.constant 0 : i32
      %dma_start3A_388 = tpu.memref_slice %arg3[%dma_start3A_381, %dma_start3A_386, %dma_start3A_387] : memref<9x124x128xf32, #tpu.memory_space<hbm>> -> memref<1x124x128xf32, #tpu.memory_space<hbm>>
      %dma_start3A_389 = tpu.memref_squeeze %dma_start3A_388 : memref<1x124x128xf32, #tpu.memory_space<hbm>> -> memref<124x128xf32, #tpu.memory_space<hbm>>
      %dma_start3A_390 = arith.constant 0 : i32
      %dma_start3A_391 = arith.constant 0 : i32
      %dma_start3A_392 = tpu.memref_slice %dma_start3A_389[%dma_start3A_390, %dma_start3A_391] : memref<124x128xf32, #tpu.memory_space<hbm>> -> memref<124x128xf32, #tpu.memory_space<hbm>>
      tpu.enqueue_indirect_dma source(%dma_start3A_392 : memref<124x128xf32, #tpu.memory_space<hbm>>) target(%arg6 : memref<128x128xf32, #tpu.memory_space<vmem>>) offsets(%dma_start3A_385 : memref<128xi32, #tpu.memory_space<vmem>>) semaphore(%arg8 : memref<!tpu.dma_semaphore, #tpu.memory_space<semaphore_mem>>) {add = true}
      %dma_wait3A_393 = arith.constant 6 : i32
      %dma_wait3A_394 = arith.constant 6 : i32
      %dma_wait3A_395 = arith.constant 0 : i32
      %dma_wait3A_396 = tpu.memref_slice %arg5[%dma_wait3A_394, %dma_wait3A_395] : memref<9x128xi32, #tpu.memory_space<vmem>> -> memref<1x128xi32, #tpu.memory_space<vmem>>
      %dma_wait3A_397 = tpu.memref_squeeze %dma_wait3A_396 : memref<1x128xi32, #tpu.memory_space<vmem>> -> memref<128xi32, #tpu.memory_space<vmem>>
      %dma_wait3A_398 = arith.constant 0 : i32
      %dma_wait3A_399 = arith.constant 0 : i32
      %dma_wait3A_400 = tpu.memref_slice %arg3[%dma_wait3A_393, %dma_wait3A_398, %dma_wait3A_399] : memref<9x124x128xf32, #tpu.memory_space<hbm>> -> memref<1x124x128xf32, #tpu.memory_space<hbm>>
      %dma_wait3A_401 = tpu.memref_squeeze %dma_wait3A_400 : memref<1x124x128xf32, #tpu.memory_space<hbm>> -> memref<124x128xf32, #tpu.memory_space<hbm>>
      %dma_wait3A_402 = arith.constant 0 : i32
      %dma_wait3A_403 = arith.constant 0 : i32
      %dma_wait3A_404 = tpu.memref_slice %dma_wait3A_401[%dma_wait3A_402, %dma_wait3A_403] : memref<124x128xf32, #tpu.memory_space<hbm>> -> memref<124x128xf32, #tpu.memory_space<hbm>>
      tpu.wait_indirect_dma semaphore(%arg8 : memref<!tpu.dma_semaphore, #tpu.memory_space<semaphore_mem>>) src(%dma_wait3A_404 : memref<124x128xf32, #tpu.memory_space<hbm>>) dst(%arg6 : memref<128x128xf32, #tpu.memory_space<vmem>>)
      %dma_start3A_405 = arith.constant 7 : i32
      %dma_start3A_406 = arith.constant 7 : i32
      %dma_start3A_407 = arith.constant 0 : i32
      %dma_start3A_408 = tpu.memref_slice %arg5[%dma_start3A_406, %dma_start3A_407] : memref<9x128xi32, #tpu.memory_space<vmem>> -> memref<1x128xi32, #tpu.memory_space<vmem>>
      %dma_start3A_409 = tpu.memref_squeeze %dma_start3A_408 : memref<1x128xi32, #tpu.memory_space<vmem>> -> memref<128xi32, #tpu.memory_space<vmem>>
      %dma_start3A_410 = arith.constant 0 : i32
      %dma_start3A_411 = arith.constant 0 : i32
      %dma_start3A_412 = tpu.memref_slice %arg3[%dma_start3A_405, %dma_start3A_410, %dma_start3A_411] : memref<9x124x128xf32, #tpu.memory_space<hbm>> -> memref<1x124x128xf32, #tpu.memory_space<hbm>>
      %dma_start3A_413 = tpu.memref_squeeze %dma_start3A_412 : memref<1x124x128xf32, #tpu.memory_space<hbm>> -> memref<124x128xf32, #tpu.memory_space<hbm>>
      %dma_start3A_414 = arith.constant 0 : i32
      %dma_start3A_415 = arith.constant 0 : i32
      %dma_start3A_416 = tpu.memref_slice %dma_start3A_413[%dma_start3A_414, %dma_start3A_415] : memref<124x128xf32, #tpu.memory_space<hbm>> -> memref<124x128xf32, #tpu.memory_space<hbm>>
      tpu.enqueue_indirect_dma source(%dma_start3A_416 : memref<124x128xf32, #tpu.memory_space<hbm>>) target(%arg6 : memref<128x128xf32, #tpu.memory_space<vmem>>) offsets(%dma_start3A_409 : memref<128xi32, #tpu.memory_space<vmem>>) semaphore(%arg8 : memref<!tpu.dma_semaphore, #tpu.memory_space<semaphore_mem>>) {add = true}
      %dma_wait3A_417 = arith.constant 7 : i32
      %dma_wait3A_418 = arith.constant 7 : i32
      %dma_wait3A_419 = arith.constant 0 : i32
      %dma_wait3A_420 = tpu.memref_slice %arg5[%dma_wait3A_418, %dma_wait3A_419] : memref<9x128xi32, #tpu.memory_space<vmem>> -> memref<1x128xi32, #tpu.memory_space<vmem>>
      %dma_wait3A_421 = tpu.memref_squeeze %dma_wait3A_420 : memref<1x128xi32, #tpu.memory_space<vmem>> -> memref<128xi32, #tpu.memory_space<vmem>>
      %dma_wait3A_422 = arith.constant 0 : i32
      %dma_wait3A_423 = arith.constant 0 : i32
      %dma_wait3A_424 = tpu.memref_slice %arg3[%dma_wait3A_417, %dma_wait3A_422, %dma_wait3A_423] : memref<9x124x128xf32, #tpu.memory_space<hbm>> -> memref<1x124x128xf32, #tpu.memory_space<hbm>>
      %dma_wait3A_425 = tpu.memref_squeeze %dma_wait3A_424 : memref<1x124x128xf32, #tpu.memory_space<hbm>> -> memref<124x128xf32, #tpu.memory_space<hbm>>
      %dma_wait3A_426 = arith.constant 0 : i32
      %dma_wait3A_427 = arith.constant 0 : i32
      %dma_wait3A_428 = tpu.memref_slice %dma_wait3A_425[%dma_wait3A_426, %dma_wait3A_427] : memref<124x128xf32, #tpu.memory_space<hbm>> -> memref<124x128xf32, #tpu.memory_space<hbm>>
      tpu.wait_indirect_dma semaphore(%arg8 : memref<!tpu.dma_semaphore, #tpu.memory_space<semaphore_mem>>) src(%dma_wait3A_428 : memref<124x128xf32, #tpu.memory_space<hbm>>) dst(%arg6 : memref<128x128xf32, #tpu.memory_space<vmem>>)
      %dma_start3A_429 = arith.constant 8 : i32
      %dma_start3A_430 = arith.constant 8 : i32
      %dma_start3A_431 = arith.constant 0 : i32
      %dma_start3A_432 = tpu.memref_slice %arg5[%dma_start3A_430, %dma_start3A_431] : memref<9x128xi32, #tpu.memory_space<vmem>> -> memref<1x128xi32, #tpu.memory_space<vmem>>
      %dma_start3A_433 = tpu.memref_squeeze %dma_start3A_432 : memref<1x128xi32, #tpu.memory_space<vmem>> -> memref<128xi32, #tpu.memory_space<vmem>>
      %dma_start3A_434 = arith.constant 0 : i32
      %dma_start3A_435 = arith.constant 0 : i32
      %dma_start3A_436 = tpu.memref_slice %arg3[%dma_start3A_429, %dma_start3A_434, %dma_start3A_435] : memref<9x124x128xf32, #tpu.memory_space<hbm>> -> memref<1x124x128xf32, #tpu.memory_space<hbm>>
      %dma_start3A_437 = tpu.memref_squeeze %dma_start3A_436 : memref<1x124x128xf32, #tpu.memory_space<hbm>> -> memref<124x128xf32, #tpu.memory_space<hbm>>
      %dma_start3A_438 = arith.constant 0 : i32
      %dma_start3A_439 = arith.constant 0 : i32
      %dma_start3A_440 = tpu.memref_slice %dma_start3A_437[%dma_start3A_438, %dma_start3A_439] : memref<124x128xf32, #tpu.memory_space<hbm>> -> memref<124x128xf32, #tpu.memory_space<hbm>>
      tpu.enqueue_indirect_dma source(%dma_start3A_440 : memref<124x128xf32, #tpu.memory_space<hbm>>) target(%arg6 : memref<128x128xf32, #tpu.memory_space<vmem>>) offsets(%dma_start3A_433 : memref<128xi32, #tpu.memory_space<vmem>>) semaphore(%arg8 : memref<!tpu.dma_semaphore, #tpu.memory_space<semaphore_mem>>) {add = true}
      %dma_wait3A_441 = arith.constant 8 : i32
      %dma_wait3A_442 = arith.constant 8 : i32
      %dma_wait3A_443 = arith.constant 0 : i32
      %dma_wait3A_444 = tpu.memref_slice %arg5[%dma_wait3A_442, %dma_wait3A_443] : memref<9x128xi32, #tpu.memory_space<vmem>> -> memref<1x128xi32, #tpu.memory_space<vmem>>
      %dma_wait3A_445 = tpu.memref_squeeze %dma_wait3A_444 : memref<1x128xi32, #tpu.memory_space<vmem>> -> memref<128xi32, #tpu.memory_space<vmem>>
      %dma_wait3A_446 = arith.constant 0 : i32
      %dma_wait3A_447 = arith.constant 0 : i32
      %dma_wait3A_448 = tpu.memref_slice %arg3[%dma_wait3A_441, %dma_wait3A_446, %dma_wait3A_447] : memref<9x124x128xf32, #tpu.memory_space<hbm>> -> memref<1x124x128xf32, #tpu.memory_space<hbm>>
      %dma_wait3A_449 = tpu.memref_squeeze %dma_wait3A_448 : memref<1x124x128xf32, #tpu.memory_space<hbm>> -> memref<124x128xf32, #tpu.memory_space<hbm>>
      %dma_wait3A_450 = arith.constant 0 : i32
      %dma_wait3A_451 = arith.constant 0 : i32
      %dma_wait3A_452 = tpu.memref_slice %dma_wait3A_449[%dma_wait3A_450, %dma_wait3A_451] : memref<124x128xf32, #tpu.memory_space<hbm>> -> memref<124x128xf32, #tpu.memory_space<hbm>>
      tpu.wait_indirect_dma semaphore(%arg8 : memref<!tpu.dma_semaphore, #tpu.memory_space<semaphore_mem>>) src(%dma_wait3A_452 : memref<124x128xf32, #tpu.memory_space<hbm>>) dst(%arg6 : memref<128x128xf32, #tpu.memory_space<vmem>>)
      "tpu.region"() ({
        %run_scoped3A = tpu.sem_alloc : memref<!tpu.dma_semaphore, #tpu.memory_space<semaphore_mem>>
        %dma_start3A_453 = arith.constant 0 : i32
        %dma_start3A_454 = tpu.memref_slice %arg4[%select_n3A_40, %dma_start3A_453] : memref<100000x128xf32, #tpu.memory_space<hbm>> -> memref<128x128xf32, #tpu.memory_space<hbm>>
        %dma_start3A_455 = arith.constant 0 : i32
        %dma_start3A_456 = tpu.memref_slice %arg4[%select_n3A_40, %dma_start3A_455] : memref<100000x128xf32, #tpu.memory_space<hbm>> -> memref<128x128xf32, #tpu.memory_space<hbm>>
        tpu.enqueue_dma source(%arg6 : memref<128x128xf32, #tpu.memory_space<vmem>>) target(%dma_start3A_456 : memref<128x128xf32, #tpu.memory_space<hbm>>) target_semaphore(%run_scoped3A : memref<!tpu.dma_semaphore, #tpu.memory_space<semaphore_mem>>)
        %dma_wait3A_457 = arith.constant 0 : i32
        %dma_wait3A_458 = tpu.memref_slice %arg4[%select_n3A_40, %dma_wait3A_457] : memref<100000x128xf32, #tpu.memory_space<hbm>> -> memref<128x128xf32, #tpu.memory_space<hbm>>
        %dma_wait3A_459 = arith.constant 0 : i32
        %dma_wait3A_460 = tpu.memref_slice %arg4[%select_n3A_40, %dma_wait3A_459] : memref<100000x128xf32, #tpu.memory_space<hbm>> -> memref<128x128xf32, #tpu.memory_space<hbm>>
        tpu.wait_dma2 semaphore(%run_scoped3A : memref<!tpu.dma_semaphore, #tpu.memory_space<semaphore_mem>>) src(%arg6 : memref<128x128xf32, #tpu.memory_space<vmem>>) dst(%dma_wait3A_460 : memref<128x128xf32, #tpu.memory_space<hbm>>)
        tpu.yield
      }) : () -> ()
    }
    %while3A_31 = arith.constant 1 : i32
    scf.for %while3A_32 = %while3A_29 to %while3A_25 step %while3A_31  : i32 {
      %mul3A_33 = arith.constant 32 : i32
      %mul3A_34 = arith.muli %while3A_32, %mul3A_33 : i32
      %add3A_35 = arith.addi %add3A, %mul3A_34 : i32
      %eq3A = arith.constant 781 : i32
      %eq3A_36 = arith.cmpi eq, %add3A_35, %eq3A : i32
      %mul3A_37 = arith.constant 128 : i32
      %mul3A_38 = arith.muli %add3A_35, %mul3A_37 : i32
      %jit3A_39 = arith.constant 99872 : i32
      %select_n3A_40 = arith.select %eq3A_36, %jit3A_39, %mul3A_38 : i32
      %add3A_41 = arith.constant 0 : i32
      %add3A_42 = arith.addi %add3A_41, %select_n3A_40 : i32
      %dma_start3A = arith.constant 0 : i32
      %dma_start3A_43 = arith.constant 0 : i32
      %dma_start3A_44 = tpu.memref_slice %arg5[%dma_start3A, %dma_start3A_43] : memref<9x128xi32, #tpu.memory_space<vmem>> -> memref<1x128xi32, #tpu.memory_space<vmem>>
      %dma_start3A_45 = tpu.memref_squeeze %dma_start3A_44 : memref<1x128xi32, #tpu.memory_space<vmem>> -> memref<128xi32, #tpu.memory_space<vmem>>
      %dma_start3A_46 = tpu.memref_slice %arg2[%add3A_42] : memref<900000xi32, #tpu.memory_space<hbm>> -> memref<128xi32, #tpu.memory_space<hbm>>
      %dma_start3A_47 = arith.constant 0 : i32
      %dma_start3A_48 = tpu.memref_slice %arg5[%dma_start3A, %dma_start3A_47] : memref<9x128xi32, #tpu.memory_space<vmem>> -> memref<1x128xi32, #tpu.memory_space<vmem>>
      %dma_start3A_49 = tpu.memref_squeeze %dma_start3A_48 : memref<1x128xi32, #tpu.memory_space<vmem>> -> memref<128xi32, #tpu.memory_space<vmem>>
      %dma_start3A_50 = tpu.memref_slice %arg2[%add3A_42] : memref<900000xi32, #tpu.memory_space<hbm>> -> memref<128xi32, #tpu.memory_space<hbm>>
      tpu.enqueue_dma source(%dma_start3A_50 : memref<128xi32, #tpu.memory_space<hbm>>) target(%dma_start3A_49 : memref<128xi32, #tpu.memory_space<vmem>>) target_semaphore(%arg7 : memref<!tpu.dma_semaphore, #tpu.memory_space<semaphore_mem>>)
      %add3A_51 = arith.constant 100000 : i32
      %add3A_52 = arith.addi %add3A_51, %select_n3A_40 : i32
      %dma_start3A_53 = arith.constant 1 : i32
      %dma_start3A_54 = arith.constant 0 : i32
      %dma_start3A_55 = tpu.memref_slice %arg5[%dma_start3A_53, %dma_start3A_54] : memref<9x128xi32, #tpu.memory_space<vmem>> -> memref<1x128xi32, #tpu.memory_space<vmem>>
      %dma_start3A_56 = tpu.memref_squeeze %dma_start3A_55 : memref<1x128xi32, #tpu.memory_space<vmem>> -> memref<128xi32, #tpu.memory_space<vmem>>
      %dma_start3A_57 = tpu.memref_slice %arg2[%add3A_52] : memref<900000xi32, #tpu.memory_space<hbm>> -> memref<128xi32, #tpu.memory_space<hbm>>
      %dma_start3A_58 = arith.constant 0 : i32
      %dma_start3A_59 = tpu.memref_slice %arg5[%dma_start3A_53, %dma_start3A_58] : memref<9x128xi32, #tpu.memory_space<vmem>> -> memref<1x128xi32, #tpu.memory_space<vmem>>
      %dma_start3A_60 = tpu.memref_squeeze %dma_start3A_59 : memref<1x128xi32, #tpu.memory_space<vmem>> -> memref<128xi32, #tpu.memory_space<vmem>>
      %dma_start3A_61 = tpu.memref_slice %arg2[%add3A_52] : memref<900000xi32, #tpu.memory_space<hbm>> -> memref<128xi32, #tpu.memory_space<hbm>>
      tpu.enqueue_dma source(%dma_start3A_61 : memref<128xi32, #tpu.memory_space<hbm>>) target(%dma_start3A_60 : memref<128xi32, #tpu.memory_space<vmem>>) target_semaphore(%arg7 : memref<!tpu.dma_semaphore, #tpu.memory_space<semaphore_mem>>)
      %add3A_62 = arith.constant 200000 : i32
      %add3A_63 = arith.addi %add3A_62, %select_n3A_40 : i32
      %dma_start3A_64 = arith.constant 2 : i32
      %dma_start3A_65 = arith.constant 0 : i32
      %dma_start3A_66 = tpu.memref_slice %arg5[%dma_start3A_64, %dma_start3A_65] : memref<9x128xi32, #tpu.memory_space<vmem>> -> memref<1x128xi32, #tpu.memory_space<vmem>>
      %dma_start3A_67 = tpu.memref_squeeze %dma_start3A_66 : memref<1x128xi32, #tpu.memory_space<vmem>> -> memref<128xi32, #tpu.memory_space<vmem>>
      %dma_start3A_68 = tpu.memref_slice %arg2[%add3A_63] : memref<900000xi32, #tpu.memory_space<hbm>> -> memref<128xi32, #tpu.memory_space<hbm>>
      %dma_start3A_69 = arith.constant 0 : i32
      %dma_start3A_70 = tpu.memref_slice %arg5[%dma_start3A_64, %dma_start3A_69] : memref<9x128xi32, #tpu.memory_space<vmem>> -> memref<1x128xi32, #tpu.memory_space<vmem>>
      %dma_start3A_71 = tpu.memref_squeeze %dma_start3A_70 : memref<1x128xi32, #tpu.memory_space<vmem>> -> memref<128xi32, #tpu.memory_space<vmem>>
      %dma_start3A_72 = tpu.memref_slice %arg2[%add3A_63] : memref<900000xi32, #tpu.memory_space<hbm>> -> memref<128xi32, #tpu.memory_space<hbm>>
      tpu.enqueue_dma source(%dma_start3A_72 : memref<128xi32, #tpu.memory_space<hbm>>) target(%dma_start3A_71 : memref<128xi32, #tpu.memory_space<vmem>>) target_semaphore(%arg7 : memref<!tpu.dma_semaphore, #tpu.memory_space<semaphore_mem>>)
      %add3A_73 = arith.constant 300000 : i32
      %add3A_74 = arith.addi %add3A_73, %select_n3A_40 : i32
      %dma_start3A_75 = arith.constant 3 : i32
      %dma_start3A_76 = arith.constant 0 : i32
      %dma_start3A_77 = tpu.memref_slice %arg5[%dma_start3A_75, %dma_start3A_76] : memref<9x128xi32, #tpu.memory_space<vmem>> -> memref<1x128xi32, #tpu.memory_space<vmem>>
      %dma_start3A_78 = tpu.memref_squeeze %dma_start3A_77 : memref<1x128xi32, #tpu.memory_space<vmem>> -> memref<128xi32, #tpu.memory_space<vmem>>
      %dma_start3A_79 = tpu.memref_slice %arg2[%add3A_74] : memref<900000xi32, #tpu.memory_space<hbm>> -> memref<128xi32, #tpu.memory_space<hbm>>
      %dma_start3A_80 = arith.constant 0 : i32
      %dma_start3A_81 = tpu.memref_slice %arg5[%dma_start3A_75, %dma_start3A_80] : memref<9x128xi32, #tpu.memory_space<vmem>> -> memref<1x128xi32, #tpu.memory_space<vmem>>
      %dma_start3A_82 = tpu.memref_squeeze %dma_start3A_81 : memref<1x128xi32, #tpu.memory_space<vmem>> -> memref<128xi32, #tpu.memory_space<vmem>>
      %dma_start3A_83 = tpu.memref_slice %arg2[%add3A_74] : memref<900000xi32, #tpu.memory_space<hbm>> -> memref<128xi32, #tpu.memory_space<hbm>>
      tpu.enqueue_dma source(%dma_start3A_83 : memref<128xi32, #tpu.memory_space<hbm>>) target(%dma_start3A_82 : memref<128xi32, #tpu.memory_space<vmem>>) target_semaphore(%arg7 : memref<!tpu.dma_semaphore, #tpu.memory_space<semaphore_mem>>)
      %add3A_84 = arith.constant 400000 : i32
      %add3A_85 = arith.addi %add3A_84, %select_n3A_40 : i32
      %dma_start3A_86 = arith.constant 4 : i32
      %dma_start3A_87 = arith.constant 0 : i32
      %dma_start3A_88 = tpu.memref_slice %arg5[%dma_start3A_86, %dma_start3A_87] : memref<9x128xi32, #tpu.memory_space<vmem>> -> memref<1x128xi32, #tpu.memory_space<vmem>>
      %dma_start3A_89 = tpu.memref_squeeze %dma_start3A_88 : memref<1x128xi32, #tpu.memory_space<vmem>> -> memref<128xi32, #tpu.memory_space<vmem>>
      %dma_start3A_90 = tpu.memref_slice %arg2[%add3A_85] : memref<900000xi32, #tpu.memory_space<hbm>> -> memref<128xi32, #tpu.memory_space<hbm>>
      %dma_start3A_91 = arith.constant 0 : i32
      %dma_start3A_92 = tpu.memref_slice %arg5[%dma_start3A_86, %dma_start3A_91] : memref<9x128xi32, #tpu.memory_space<vmem>> -> memref<1x128xi32, #tpu.memory_space<vmem>>
      %dma_start3A_93 = tpu.memref_squeeze %dma_start3A_92 : memref<1x128xi32, #tpu.memory_space<vmem>> -> memref<128xi32, #tpu.memory_space<vmem>>
      %dma_start3A_94 = tpu.memref_slice %arg2[%add3A_85] : memref<900000xi32, #tpu.memory_space<hbm>> -> memref<128xi32, #tpu.memory_space<hbm>>
      tpu.enqueue_dma source(%dma_start3A_94 : memref<128xi32, #tpu.memory_space<hbm>>) target(%dma_start3A_93 : memref<128xi32, #tpu.memory_space<vmem>>) target_semaphore(%arg7 : memref<!tpu.dma_semaphore, #tpu.memory_space<semaphore_mem>>)
      %add3A_95 = arith.constant 500000 : i32
      %add3A_96 = arith.addi %add3A_95, %select_n3A_40 : i32
      %dma_start3A_97 = arith.constant 5 : i32
      %dma_start3A_98 = arith.constant 0 : i32
      %dma_start3A_99 = tpu.memref_slice %arg5[%dma_start3A_97, %dma_start3A_98] : memref<9x128xi32, #tpu.memory_space<vmem>> -> memref<1x128xi32, #tpu.memory_space<vmem>>
      %dma_start3A_100 = tpu.memref_squeeze %dma_start3A_99 : memref<1x128xi32, #tpu.memory_space<vmem>> -> memref<128xi32, #tpu.memory_space<vmem>>
      %dma_start3A_101 = tpu.memref_slice %arg2[%add3A_96] : memref<900000xi32, #tpu.memory_space<hbm>> -> memref<128xi32, #tpu.memory_space<hbm>>
      %dma_start3A_102 = arith.constant 0 : i32
      %dma_start3A_103 = tpu.memref_slice %arg5[%dma_start3A_97, %dma_start3A_102] : memref<9x128xi32, #tpu.memory_space<vmem>> -> memref<1x128xi32, #tpu.memory_space<vmem>>
      %dma_start3A_104 = tpu.memref_squeeze %dma_start3A_103 : memref<1x128xi32, #tpu.memory_space<vmem>> -> memref<128xi32, #tpu.memory_space<vmem>>
      %dma_start3A_105 = tpu.memref_slice %arg2[%add3A_96] : memref<900000xi32, #tpu.memory_space<hbm>> -> memref<128xi32, #tpu.memory_space<hbm>>
      tpu.enqueue_dma source(%dma_start3A_105 : memref<128xi32, #tpu.memory_space<hbm>>) target(%dma_start3A_104 : memref<128xi32, #tpu.memory_space<vmem>>) target_semaphore(%arg7 : memref<!tpu.dma_semaphore, #tpu.memory_space<semaphore_mem>>)
      %add3A_106 = arith.constant 600000 : i32
      %add3A_107 = arith.addi %add3A_106, %select_n3A_40 : i32
      %dma_start3A_108 = arith.constant 6 : i32
      %dma_start3A_109 = arith.constant 0 : i32
      %dma_start3A_110 = tpu.memref_slice %arg5[%dma_start3A_108, %dma_start3A_109] : memref<9x128xi32, #tpu.memory_space<vmem>> -> memref<1x128xi32, #tpu.memory_space<vmem>>
      %dma_start3A_111 = tpu.memref_squeeze %dma_start3A_110 : memref<1x128xi32, #tpu.memory_space<vmem>> -> memref<128xi32, #tpu.memory_space<vmem>>
      %dma_start3A_112 = tpu.memref_slice %arg2[%add3A_107] : memref<900000xi32, #tpu.memory_space<hbm>> -> memref<128xi32, #tpu.memory_space<hbm>>
      %dma_start3A_113 = arith.constant 0 : i32
      %dma_start3A_114 = tpu.memref_slice %arg5[%dma_start3A_108, %dma_start3A_113] : memref<9x128xi32, #tpu.memory_space<vmem>> -> memref<1x128xi32, #tpu.memory_space<vmem>>
      %dma_start3A_115 = tpu.memref_squeeze %dma_start3A_114 : memref<1x128xi32, #tpu.memory_space<vmem>> -> memref<128xi32, #tpu.memory_space<vmem>>
      %dma_start3A_116 = tpu.memref_slice %arg2[%add3A_107] : memref<900000xi32, #tpu.memory_space<hbm>> -> memref<128xi32, #tpu.memory_space<hbm>>
      tpu.enqueue_dma source(%dma_start3A_116 : memref<128xi32, #tpu.memory_space<hbm>>) target(%dma_start3A_115 : memref<128xi32, #tpu.memory_space<vmem>>) target_semaphore(%arg7 : memref<!tpu.dma_semaphore, #tpu.memory_space<semaphore_mem>>)
      %add3A_117 = arith.constant 700000 : i32
      %add3A_118 = arith.addi %add3A_117, %select_n3A_40 : i32
      %dma_start3A_119 = arith.constant 7 : i32
      %dma_start3A_120 = arith.constant 0 : i32
      %dma_start3A_121 = tpu.memref_slice %arg5[%dma_start3A_119, %dma_start3A_120] : memref<9x128xi32, #tpu.memory_space<vmem>> -> memref<1x128xi32, #tpu.memory_space<vmem>>
      %dma_start3A_122 = tpu.memref_squeeze %dma_start3A_121 : memref<1x128xi32, #tpu.memory_space<vmem>> -> memref<128xi32, #tpu.memory_space<vmem>>
      %dma_start3A_123 = tpu.memref_slice %arg2[%add3A_118] : memref<900000xi32, #tpu.memory_space<hbm>> -> memref<128xi32, #tpu.memory_space<hbm>>
      %dma_start3A_124 = arith.constant 0 : i32
      %dma_start3A_125 = tpu.memref_slice %arg5[%dma_start3A_119, %dma_start3A_124] : memref<9x128xi32, #tpu.memory_space<vmem>> -> memref<1x128xi32, #tpu.memory_space<vmem>>
      %dma_start3A_126 = tpu.memref_squeeze %dma_start3A_125 : memref<1x128xi32, #tpu.memory_space<vmem>> -> memref<128xi32, #tpu.memory_space<vmem>>
      %dma_start3A_127 = tpu.memref_slice %arg2[%add3A_118] : memref<900000xi32, #tpu.memory_space<hbm>> -> memref<128xi32, #tpu.memory_space<hbm>>
      tpu.enqueue_dma source(%dma_start3A_127 : memref<128xi32, #tpu.memory_space<hbm>>) target(%dma_start3A_126 : memref<128xi32, #tpu.memory_space<vmem>>) target_semaphore(%arg7 : memref<!tpu.dma_semaphore, #tpu.memory_space<semaphore_mem>>)
      %add3A_128 = arith.constant 800000 : i32
      %add3A_129 = arith.addi %add3A_128, %select_n3A_40 : i32
      %dma_start3A_130 = arith.constant 8 : i32
      %dma_start3A_131 = arith.constant 0 : i32
      %dma_start3A_132 = tpu.memref_slice %arg5[%dma_start3A_130, %dma_start3A_131] : memref<9x128xi32, #tpu.memory_space<vmem>> -> memref<1x128xi32, #tpu.memory_space<vmem>>
      %dma_start3A_133 = tpu.memref_squeeze %dma_start3A_132 : memref<1x128xi32, #tpu.memory_space<vmem>> -> memref<128xi32, #tpu.memory_space<vmem>>
      %dma_start3A_134 = tpu.memref_slice %arg2[%add3A_129] : memref<900000xi32, #tpu.memory_space<hbm>> -> memref<128xi32, #tpu.memory_space<hbm>>
      %dma_start3A_135 = arith.constant 0 : i32
      %dma_start3A_136 = tpu.memref_slice %arg5[%dma_start3A_130, %dma_start3A_135] : memref<9x128xi32, #tpu.memory_space<vmem>> -> memref<1x128xi32, #tpu.memory_space<vmem>>
      %dma_start3A_137 = tpu.memref_squeeze %dma_start3A_136 : memref<1x128xi32, #tpu.memory_space<vmem>> -> memref<128xi32, #tpu.memory_space<vmem>>
      %dma_start3A_138 = tpu.memref_slice %arg2[%add3A_129] : memref<900000xi32, #tpu.memory_space<hbm>> -> memref<128xi32, #tpu.memory_space<hbm>>
      tpu.enqueue_dma source(%dma_start3A_138 : memref<128xi32, #tpu.memory_space<hbm>>) target(%dma_start3A_137 : memref<128xi32, #tpu.memory_space<vmem>>) target_semaphore(%arg7 : memref<!tpu.dma_semaphore, #tpu.memory_space<semaphore_mem>>)
      %add3A_139 = arith.constant 0 : i32
      %add3A_140 = arith.addi %add3A_139, %select_n3A_40 : i32
      %dma_wait3A = arith.constant 0 : i32
      %dma_wait3A_141 = arith.constant 0 : i32
      %dma_wait3A_142 = tpu.memref_slice %arg5[%dma_wait3A, %dma_wait3A_141] : memref<9x128xi32, #tpu.memory_space<vmem>> -> memref<1x128xi32, #tpu.memory_space<vmem>>
      %dma_wait3A_143 = tpu.memref_squeeze %dma_wait3A_142 : memref<1x128xi32, #tpu.memory_space<vmem>> -> memref<128xi32, #tpu.memory_space<vmem>>
      %dma_wait3A_144 = tpu.memref_slice %arg2[%add3A_140] : memref<900000xi32, #tpu.memory_space<hbm>> -> memref<128xi32, #tpu.memory_space<hbm>>
      %dma_wait3A_145 = arith.constant 0 : i32
      %dma_wait3A_146 = tpu.memref_slice %arg5[%dma_wait3A, %dma_wait3A_145] : memref<9x128xi32, #tpu.memory_space<vmem>> -> memref<1x128xi32, #tpu.memory_space<vmem>>
      %dma_wait3A_147 = tpu.memref_squeeze %dma_wait3A_146 : memref<1x128xi32, #tpu.memory_space<vmem>> -> memref<128xi32, #tpu.memory_space<vmem>>
      %dma_wait3A_148 = tpu.memref_slice %arg2[%add3A_140] : memref<900000xi32, #tpu.memory_space<hbm>> -> memref<128xi32, #tpu.memory_space<hbm>>
      tpu.wait_dma2 semaphore(%arg7 : memref<!tpu.dma_semaphore, #tpu.memory_space<semaphore_mem>>) src(%dma_wait3A_148 : memref<128xi32, #tpu.memory_space<hbm>>) dst(%dma_wait3A_147 : memref<128xi32, #tpu.memory_space<vmem>>)
      %add3A_149 = arith.constant 100000 : i32
      %add3A_150 = arith.addi %add3A_149, %select_n3A_40 : i32
      %dma_wait3A_151 = arith.constant 1 : i32
      %dma_wait3A_152 = arith.constant 0 : i32
      %dma_wait3A_153 = tpu.memref_slice %arg5[%dma_wait3A_151, %dma_wait3A_152] : memref<9x128xi32, #tpu.memory_space<vmem>> -> memref<1x128xi32, #tpu.memory_space<vmem>>
      %dma_wait3A_154 = tpu.memref_squeeze %dma_wait3A_153 : memref<1x128xi32, #tpu.memory_space<vmem>> -> memref<128xi32, #tpu.memory_space<vmem>>
      %dma_wait3A_155 = tpu.memref_slice %arg2[%add3A_150] : memref<900000xi32, #tpu.memory_space<hbm>> -> memref<128xi32, #tpu.memory_space<hbm>>
      %dma_wait3A_156 = arith.constant 0 : i32
      %dma_wait3A_157 = tpu.memref_slice %arg5[%dma_wait3A_151, %dma_wait3A_156] : memref<9x128xi32, #tpu.memory_space<vmem>> -> memref<1x128xi32, #tpu.memory_space<vmem>>
      %dma_wait3A_158 = tpu.memref_squeeze %dma_wait3A_157 : memref<1x128xi32, #tpu.memory_space<vmem>> -> memref<128xi32, #tpu.memory_space<vmem>>
      %dma_wait3A_159 = tpu.memref_slice %arg2[%add3A_150] : memref<900000xi32, #tpu.memory_space<hbm>> -> memref<128xi32, #tpu.memory_space<hbm>>
      tpu.wait_dma2 semaphore(%arg7 : memref<!tpu.dma_semaphore, #tpu.memory_space<semaphore_mem>>) src(%dma_wait3A_159 : memref<128xi32, #tpu.memory_space<hbm>>) dst(%dma_wait3A_158 : memref<128xi32, #tpu.memory_space<vmem>>)
      %add3A_160 = arith.constant 200000 : i32
      %add3A_161 = arith.addi %add3A_160, %select_n3A_40 : i32
      %dma_wait3A_162 = arith.constant 2 : i32
      %dma_wait3A_163 = arith.constant 0 : i32
      %dma_wait3A_164 = tpu.memref_slice %arg5[%dma_wait3A_162, %dma_wait3A_163] : memref<9x128xi32, #tpu.memory_space<vmem>> -> memref<1x128xi32, #tpu.memory_space<vmem>>
      %dma_wait3A_165 = tpu.memref_squeeze %dma_wait3A_164 : memref<1x128xi32, #tpu.memory_space<vmem>> -> memref<128xi32, #tpu.memory_space<vmem>>
      %dma_wait3A_166 = tpu.memref_slice %arg2[%add3A_161] : memref<900000xi32, #tpu.memory_space<hbm>> -> memref<128xi32, #tpu.memory_space<hbm>>
      %dma_wait3A_167 = arith.constant 0 : i32
      %dma_wait3A_168 = tpu.memref_slice %arg5[%dma_wait3A_162, %dma_wait3A_167] : memref<9x128xi32, #tpu.memory_space<vmem>> -> memref<1x128xi32, #tpu.memory_space<vmem>>
      %dma_wait3A_169 = tpu.memref_squeeze %dma_wait3A_168 : memref<1x128xi32, #tpu.memory_space<vmem>> -> memref<128xi32, #tpu.memory_space<vmem>>
      %dma_wait3A_170 = tpu.memref_slice %arg2[%add3A_161] : memref<900000xi32, #tpu.memory_space<hbm>> -> memref<128xi32, #tpu.memory_space<hbm>>
      tpu.wait_dma2 semaphore(%arg7 : memref<!tpu.dma_semaphore, #tpu.memory_space<semaphore_mem>>) src(%dma_wait3A_170 : memref<128xi32, #tpu.memory_space<hbm>>) dst(%dma_wait3A_169 : memref<128xi32, #tpu.memory_space<vmem>>)
      %add3A_171 = arith.constant 300000 : i32
      %add3A_172 = arith.addi %add3A_171, %select_n3A_40 : i32
      %dma_wait3A_173 = arith.constant 3 : i32
      %dma_wait3A_174 = arith.constant 0 : i32
      %dma_wait3A_175 = tpu.memref_slice %arg5[%dma_wait3A_173, %dma_wait3A_174] : memref<9x128xi32, #tpu.memory_space<vmem>> -> memref<1x128xi32, #tpu.memory_space<vmem>>
      %dma_wait3A_176 = tpu.memref_squeeze %dma_wait3A_175 : memref<1x128xi32, #tpu.memory_space<vmem>> -> memref<128xi32, #tpu.memory_space<vmem>>
      %dma_wait3A_177 = tpu.memref_slice %arg2[%add3A_172] : memref<900000xi32, #tpu.memory_space<hbm>> -> memref<128xi32, #tpu.memory_space<hbm>>
      %dma_wait3A_178 = arith.constant 0 : i32
      %dma_wait3A_179 = tpu.memref_slice %arg5[%dma_wait3A_173, %dma_wait3A_178] : memref<9x128xi32, #tpu.memory_space<vmem>> -> memref<1x128xi32, #tpu.memory_space<vmem>>
      %dma_wait3A_180 = tpu.memref_squeeze %dma_wait3A_179 : memref<1x128xi32, #tpu.memory_space<vmem>> -> memref<128xi32, #tpu.memory_space<vmem>>
      %dma_wait3A_181 = tpu.memref_slice %arg2[%add3A_172] : memref<900000xi32, #tpu.memory_space<hbm>> -> memref<128xi32, #tpu.memory_space<hbm>>
      tpu.wait_dma2 semaphore(%arg7 : memref<!tpu.dma_semaphore, #tpu.memory_space<semaphore_mem>>) src(%dma_wait3A_181 : memref<128xi32, #tpu.memory_space<hbm>>) dst(%dma_wait3A_180 : memref<128xi32, #tpu.memory_space<vmem>>)
      %add3A_182 = arith.constant 400000 : i32
      %add3A_183 = arith.addi %add3A_182, %select_n3A_40 : i32
      %dma_wait3A_184 = arith.constant 4 : i32
      %dma_wait3A_185 = arith.constant 0 : i32
      %dma_wait3A_186 = tpu.memref_slice %arg5[%dma_wait3A_184, %dma_wait3A_185] : memref<9x128xi32, #tpu.memory_space<vmem>> -> memref<1x128xi32, #tpu.memory_space<vmem>>
      %dma_wait3A_187 = tpu.memref_squeeze %dma_wait3A_186 : memref<1x128xi32, #tpu.memory_space<vmem>> -> memref<128xi32, #tpu.memory_space<vmem>>
      %dma_wait3A_188 = tpu.memref_slice %arg2[%add3A_183] : memref<900000xi32, #tpu.memory_space<hbm>> -> memref<128xi32, #tpu.memory_space<hbm>>
      %dma_wait3A_189 = arith.constant 0 : i32
      %dma_wait3A_190 = tpu.memref_slice %arg5[%dma_wait3A_184, %dma_wait3A_189] : memref<9x128xi32, #tpu.memory_space<vmem>> -> memref<1x128xi32, #tpu.memory_space<vmem>>
      %dma_wait3A_191 = tpu.memref_squeeze %dma_wait3A_190 : memref<1x128xi32, #tpu.memory_space<vmem>> -> memref<128xi32, #tpu.memory_space<vmem>>
      %dma_wait3A_192 = tpu.memref_slice %arg2[%add3A_183] : memref<900000xi32, #tpu.memory_space<hbm>> -> memref<128xi32, #tpu.memory_space<hbm>>
      tpu.wait_dma2 semaphore(%arg7 : memref<!tpu.dma_semaphore, #tpu.memory_space<semaphore_mem>>) src(%dma_wait3A_192 : memref<128xi32, #tpu.memory_space<hbm>>) dst(%dma_wait3A_191 : memref<128xi32, #tpu.memory_space<vmem>>)
      %add3A_193 = arith.constant 500000 : i32
      %add3A_194 = arith.addi %add3A_193, %select_n3A_40 : i32
      %dma_wait3A_195 = arith.constant 5 : i32
      %dma_wait3A_196 = arith.constant 0 : i32
      %dma_wait3A_197 = tpu.memref_slice %arg5[%dma_wait3A_195, %dma_wait3A_196] : memref<9x128xi32, #tpu.memory_space<vmem>> -> memref<1x128xi32, #tpu.memory_space<vmem>>
      %dma_wait3A_198 = tpu.memref_squeeze %dma_wait3A_197 : memref<1x128xi32, #tpu.memory_space<vmem>> -> memref<128xi32, #tpu.memory_space<vmem>>
      %dma_wait3A_199 = tpu.memref_slice %arg2[%add3A_194] : memref<900000xi32, #tpu.memory_space<hbm>> -> memref<128xi32, #tpu.memory_space<hbm>>
      %dma_wait3A_200 = arith.constant 0 : i32
      %dma_wait3A_201 = tpu.memref_slice %arg5[%dma_wait3A_195, %dma_wait3A_200] : memref<9x128xi32, #tpu.memory_space<vmem>> -> memref<1x128xi32, #tpu.memory_space<vmem>>
      %dma_wait3A_202 = tpu.memref_squeeze %dma_wait3A_201 : memref<1x128xi32, #tpu.memory_space<vmem>> -> memref<128xi32, #tpu.memory_space<vmem>>
      %dma_wait3A_203 = tpu.memref_slice %arg2[%add3A_194] : memref<900000xi32, #tpu.memory_space<hbm>> -> memref<128xi32, #tpu.memory_space<hbm>>
      tpu.wait_dma2 semaphore(%arg7 : memref<!tpu.dma_semaphore, #tpu.memory_space<semaphore_mem>>) src(%dma_wait3A_203 : memref<128xi32, #tpu.memory_space<hbm>>) dst(%dma_wait3A_202 : memref<128xi32, #tpu.memory_space<vmem>>)
      %add3A_204 = arith.constant 600000 : i32
      %add3A_205 = arith.addi %add3A_204, %select_n3A_40 : i32
      %dma_wait3A_206 = arith.constant 6 : i32
      %dma_wait3A_207 = arith.constant 0 : i32
      %dma_wait3A_208 = tpu.memref_slice %arg5[%dma_wait3A_206, %dma_wait3A_207] : memref<9x128xi32, #tpu.memory_space<vmem>> -> memref<1x128xi32, #tpu.memory_space<vmem>>
      %dma_wait3A_209 = tpu.memref_squeeze %dma_wait3A_208 : memref<1x128xi32, #tpu.memory_space<vmem>> -> memref<128xi32, #tpu.memory_space<vmem>>
      %dma_wait3A_210 = tpu.memref_slice %arg2[%add3A_205] : memref<900000xi32, #tpu.memory_space<hbm>> -> memref<128xi32, #tpu.memory_space<hbm>>
      %dma_wait3A_211 = arith.constant 0 : i32
      %dma_wait3A_212 = tpu.memref_slice %arg5[%dma_wait3A_206, %dma_wait3A_211] : memref<9x128xi32, #tpu.memory_space<vmem>> -> memref<1x128xi32, #tpu.memory_space<vmem>>
      %dma_wait3A_213 = tpu.memref_squeeze %dma_wait3A_212 : memref<1x128xi32, #tpu.memory_space<vmem>> -> memref<128xi32, #tpu.memory_space<vmem>>
      %dma_wait3A_214 = tpu.memref_slice %arg2[%add3A_205] : memref<900000xi32, #tpu.memory_space<hbm>> -> memref<128xi32, #tpu.memory_space<hbm>>
      tpu.wait_dma2 semaphore(%arg7 : memref<!tpu.dma_semaphore, #tpu.memory_space<semaphore_mem>>) src(%dma_wait3A_214 : memref<128xi32, #tpu.memory_space<hbm>>) dst(%dma_wait3A_213 : memref<128xi32, #tpu.memory_space<vmem>>)
      %add3A_215 = arith.constant 700000 : i32
      %add3A_216 = arith.addi %add3A_215, %select_n3A_40 : i32
      %dma_wait3A_217 = arith.constant 7 : i32
      %dma_wait3A_218 = arith.constant 0 : i32
      %dma_wait3A_219 = tpu.memref_slice %arg5[%dma_wait3A_217, %dma_wait3A_218] : memref<9x128xi32, #tpu.memory_space<vmem>> -> memref<1x128xi32, #tpu.memory_space<vmem>>
      %dma_wait3A_220 = tpu.memref_squeeze %dma_wait3A_219 : memref<1x128xi32, #tpu.memory_space<vmem>> -> memref<128xi32, #tpu.memory_space<vmem>>
      %dma_wait3A_221 = tpu.memref_slice %arg2[%add3A_216] : memref<900000xi32, #tpu.memory_space<hbm>> -> memref<128xi32, #tpu.memory_space<hbm>>
      %dma_wait3A_222 = arith.constant 0 : i32
      %dma_wait3A_223 = tpu.memref_slice %arg5[%dma_wait3A_217, %dma_wait3A_222] : memref<9x128xi32, #tpu.memory_space<vmem>> -> memref<1x128xi32, #tpu.memory_space<vmem>>
      %dma_wait3A_224 = tpu.memref_squeeze %dma_wait3A_223 : memref<1x128xi32, #tpu.memory_space<vmem>> -> memref<128xi32, #tpu.memory_space<vmem>>
      %dma_wait3A_225 = tpu.memref_slice %arg2[%add3A_216] : memref<900000xi32, #tpu.memory_space<hbm>> -> memref<128xi32, #tpu.memory_space<hbm>>
      tpu.wait_dma2 semaphore(%arg7 : memref<!tpu.dma_semaphore, #tpu.memory_space<semaphore_mem>>) src(%dma_wait3A_225 : memref<128xi32, #tpu.memory_space<hbm>>) dst(%dma_wait3A_224 : memref<128xi32, #tpu.memory_space<vmem>>)
      %add3A_226 = arith.constant 800000 : i32
      %add3A_227 = arith.addi %add3A_226, %select_n3A_40 : i32
      %dma_wait3A_228 = arith.constant 8 : i32
      %dma_wait3A_229 = arith.constant 0 : i32
      %dma_wait3A_230 = tpu.memref_slice %arg5[%dma_wait3A_228, %dma_wait3A_229] : memref<9x128xi32, #tpu.memory_space<vmem>> -> memref<1x128xi32, #tpu.memory_space<vmem>>
      %dma_wait3A_231 = tpu.memref_squeeze %dma_wait3A_230 : memref<1x128xi32, #tpu.memory_space<vmem>> -> memref<128xi32, #tpu.memory_space<vmem>>
      %dma_wait3A_232 = tpu.memref_slice %arg2[%add3A_227] : memref<900000xi32, #tpu.memory_space<hbm>> -> memref<128xi32, #tpu.memory_space<hbm>>
      %dma_wait3A_233 = arith.constant 0 : i32
      %dma_wait3A_234 = tpu.memref_slice %arg5[%dma_wait3A_228, %dma_wait3A_233] : memref<9x128xi32, #tpu.memory_space<vmem>> -> memref<1x128xi32, #tpu.memory_space<vmem>>
      %dma_wait3A_235 = tpu.memref_squeeze %dma_wait3A_234 : memref<1x128xi32, #tpu.memory_space<vmem>> -> memref<128xi32, #tpu.memory_space<vmem>>
      %dma_wait3A_236 = tpu.memref_slice %arg2[%add3A_227] : memref<900000xi32, #tpu.memory_space<hbm>> -> memref<128xi32, #tpu.memory_space<hbm>>
      tpu.wait_dma2 semaphore(%arg7 : memref<!tpu.dma_semaphore, #tpu.memory_space<semaphore_mem>>) src(%dma_wait3A_236 : memref<128xi32, #tpu.memory_space<hbm>>) dst(%dma_wait3A_235 : memref<128xi32, #tpu.memory_space<vmem>>)
      %dma_start3A_237 = arith.constant 0 : i32
      %dma_start3A_238 = arith.constant 0 : i32
      %dma_start3A_239 = arith.constant 0 : i32
      %dma_start3A_240 = tpu.memref_slice %arg5[%dma_start3A_238, %dma_start3A_239] : memref<9x128xi32, #tpu.memory_space<vmem>> -> memref<1x128xi32, #tpu.memory_space<vmem>>
      %dma_start3A_241 = tpu.memref_squeeze %dma_start3A_240 : memref<1x128xi32, #tpu.memory_space<vmem>> -> memref<128xi32, #tpu.memory_space<vmem>>
      %dma_start3A_242 = arith.constant 0 : i32
      %dma_start3A_243 = arith.constant 0 : i32
      %dma_start3A_244 = tpu.memref_slice %arg3[%dma_start3A_237, %dma_start3A_242, %dma_start3A_243] : memref<9x124x128xf32, #tpu.memory_space<hbm>> -> memref<1x124x128xf32, #tpu.memory_space<hbm>>
      %dma_start3A_245 = tpu.memref_squeeze %dma_start3A_244 : memref<1x124x128xf32, #tpu.memory_space<hbm>> -> memref<124x128xf32, #tpu.memory_space<hbm>>
      %dma_start3A_246 = arith.constant 0 : i32
      %dma_start3A_247 = arith.constant 0 : i32
      %dma_start3A_248 = tpu.memref_slice %dma_start3A_245[%dma_start3A_246, %dma_start3A_247] : memref<124x128xf32, #tpu.memory_space<hbm>> -> memref<124x128xf32, #tpu.memory_space<hbm>>
      tpu.enqueue_indirect_dma source(%dma_start3A_248 : memref<124x128xf32, #tpu.memory_space<hbm>>) target(%arg6 : memref<128x128xf32, #tpu.memory_space<vmem>>) offsets(%dma_start3A_241 : memref<128xi32, #tpu.memory_space<vmem>>) semaphore(%arg8 : memref<!tpu.dma_semaphore, #tpu.memory_space<semaphore_mem>>)
      %dma_wait3A_249 = arith.constant 0 : i32
      %dma_wait3A_250 = arith.constant 0 : i32
      %dma_wait3A_251 = arith.constant 0 : i32
      %dma_wait3A_252 = tpu.memref_slice %arg5[%dma_wait3A_250, %dma_wait3A_251] : memref<9x128xi32, #tpu.memory_space<vmem>> -> memref<1x128xi32, #tpu.memory_space<vmem>>
      %dma_wait3A_253 = tpu.memref_squeeze %dma_wait3A_252 : memref<1x128xi32, #tpu.memory_space<vmem>> -> memref<128xi32, #tpu.memory_space<vmem>>
      %dma_wait3A_254 = arith.constant 0 : i32
      %dma_wait3A_255 = arith.constant 0 : i32
      %dma_wait3A_256 = tpu.memref_slice %arg3[%dma_wait3A_249, %dma_wait3A_254, %dma_wait3A_255] : memref<9x124x128xf32, #tpu.memory_space<hbm>> -> memref<1x124x128xf32, #tpu.memory_space<hbm>>
      %dma_wait3A_257 = tpu.memref_squeeze %dma_wait3A_256 : memref<1x124x128xf32, #tpu.memory_space<hbm>> -> memref<124x128xf32, #tpu.memory_space<hbm>>
      %dma_wait3A_258 = arith.constant 0 : i32
      %dma_wait3A_259 = arith.constant 0 : i32
      %dma_wait3A_260 = tpu.memref_slice %dma_wait3A_257[%dma_wait3A_258, %dma_wait3A_259] : memref<124x128xf32, #tpu.memory_space<hbm>> -> memref<124x128xf32, #tpu.memory_space<hbm>>
      tpu.wait_indirect_dma semaphore(%arg8 : memref<!tpu.dma_semaphore, #tpu.memory_space<semaphore_mem>>) src(%dma_wait3A_260 : memref<124x128xf32, #tpu.memory_space<hbm>>) dst(%arg6 : memref<128x128xf32, #tpu.memory_space<vmem>>)
      %dma_start3A_261 = arith.constant 1 : i32
      %dma_start3A_262 = arith.constant 1 : i32
      %dma_start3A_263 = arith.constant 0 : i32
      %dma_start3A_264 = tpu.memref_slice %arg5[%dma_start3A_262, %dma_start3A_263] : memref<9x128xi32, #tpu.memory_space<vmem>> -> memref<1x128xi32, #tpu.memory_space<vmem>>
      %dma_start3A_265 = tpu.memref_squeeze %dma_start3A_264 : memref<1x128xi32, #tpu.memory_space<vmem>> -> memref<128xi32, #tpu.memory_space<vmem>>
      %dma_start3A_266 = arith.constant 0 : i32
      %dma_start3A_267 = arith.constant 0 : i32
      %dma_start3A_268 = tpu.memref_slice %arg3[%dma_start3A_261, %dma_start3A_266, %dma_start3A_267] : memref<9x124x128xf32, #tpu.memory_space<hbm>> -> memref<1x124x128xf32, #tpu.memory_space<hbm>>
      %dma_start3A_269 = tpu.memref_squeeze %dma_start3A_268 : memref<1x124x128xf32, #tpu.memory_space<hbm>> -> memref<124x128xf32, #tpu.memory_space<hbm>>
      %dma_start3A_270 = arith.constant 0 : i32
      %dma_start3A_271 = arith.constant 0 : i32
      %dma_start3A_272 = tpu.memref_slice %dma_start3A_269[%dma_start3A_270, %dma_start3A_271] : memref<124x128xf32, #tpu.memory_space<hbm>> -> memref<124x128xf32, #tpu.memory_space<hbm>>
      tpu.enqueue_indirect_dma source(%dma_start3A_272 : memref<124x128xf32, #tpu.memory_space<hbm>>) target(%arg6 : memref<128x128xf32, #tpu.memory_space<vmem>>) offsets(%dma_start3A_265 : memref<128xi32, #tpu.memory_space<vmem>>) semaphore(%arg8 : memref<!tpu.dma_semaphore, #tpu.memory_space<semaphore_mem>>) {add = true}
      %dma_wait3A_273 = arith.constant 1 : i32
      %dma_wait3A_274 = arith.constant 1 : i32
      %dma_wait3A_275 = arith.constant 0 : i32
      %dma_wait3A_276 = tpu.memref_slice %arg5[%dma_wait3A_274, %dma_wait3A_275] : memref<9x128xi32, #tpu.memory_space<vmem>> -> memref<1x128xi32, #tpu.memory_space<vmem>>
      %dma_wait3A_277 = tpu.memref_squeeze %dma_wait3A_276 : memref<1x128xi32, #tpu.memory_space<vmem>> -> memref<128xi32, #tpu.memory_space<vmem>>
      %dma_wait3A_278 = arith.constant 0 : i32
      %dma_wait3A_279 = arith.constant 0 : i32
      %dma_wait3A_280 = tpu.memref_slice %arg3[%dma_wait3A_273, %dma_wait3A_278, %dma_wait3A_279] : memref<9x124x128xf32, #tpu.memory_space<hbm>> -> memref<1x124x128xf32, #tpu.memory_space<hbm>>
      %dma_wait3A_281 = tpu.memref_squeeze %dma_wait3A_280 : memref<1x124x128xf32, #tpu.memory_space<hbm>> -> memref<124x128xf32, #tpu.memory_space<hbm>>
      %dma_wait3A_282 = arith.constant 0 : i32
      %dma_wait3A_283 = arith.constant 0 : i32
      %dma_wait3A_284 = tpu.memref_slice %dma_wait3A_281[%dma_wait3A_282, %dma_wait3A_283] : memref<124x128xf32, #tpu.memory_space<hbm>> -> memref<124x128xf32, #tpu.memory_space<hbm>>
      tpu.wait_indirect_dma semaphore(%arg8 : memref<!tpu.dma_semaphore, #tpu.memory_space<semaphore_mem>>) src(%dma_wait3A_284 : memref<124x128xf32, #tpu.memory_space<hbm>>) dst(%arg6 : memref<128x128xf32, #tpu.memory_space<vmem>>)
      %dma_start3A_285 = arith.constant 2 : i32
      %dma_start3A_286 = arith.constant 2 : i32
      %dma_start3A_287 = arith.constant 0 : i32
      %dma_start3A_288 = tpu.memref_slice %arg5[%dma_start3A_286, %dma_start3A_287] : memref<9x128xi32, #tpu.memory_space<vmem>> -> memref<1x128xi32, #tpu.memory_space<vmem>>
      %dma_start3A_289 = tpu.memref_squeeze %dma_start3A_288 : memref<1x128xi32, #tpu.memory_space<vmem>> -> memref<128xi32, #tpu.memory_space<vmem>>
      %dma_start3A_290 = arith.constant 0 : i32
      %dma_start3A_291 = arith.constant 0 : i32
      %dma_start3A_292 = tpu.memref_slice %arg3[%dma_start3A_285, %dma_start3A_290, %dma_start3A_291] : memref<9x124x128xf32, #tpu.memory_space<hbm>> -> memref<1x124x128xf32, #tpu.memory_space<hbm>>
      %dma_start3A_293 = tpu.memref_squeeze %dma_start3A_292 : memref<1x124x128xf32, #tpu.memory_space<hbm>> -> memref<124x128xf32, #tpu.memory_space<hbm>>
      %dma_start3A_294 = arith.constant 0 : i32
      %dma_start3A_295 = arith.constant 0 : i32
      %dma_start3A_296 = tpu.memref_slice %dma_start3A_293[%dma_start3A_294, %dma_start3A_295] : memref<124x128xf32, #tpu.memory_space<hbm>> -> memref<124x128xf32, #tpu.memory_space<hbm>>
      tpu.enqueue_indirect_dma source(%dma_start3A_296 : memref<124x128xf32, #tpu.memory_space<hbm>>) target(%arg6 : memref<128x128xf32, #tpu.memory_space<vmem>>) offsets(%dma_start3A_289 : memref<128xi32, #tpu.memory_space<vmem>>) semaphore(%arg8 : memref<!tpu.dma_semaphore, #tpu.memory_space<semaphore_mem>>) {add = true}
      %dma_wait3A_297 = arith.constant 2 : i32
      %dma_wait3A_298 = arith.constant 2 : i32
      %dma_wait3A_299 = arith.constant 0 : i32
      %dma_wait3A_300 = tpu.memref_slice %arg5[%dma_wait3A_298, %dma_wait3A_299] : memref<9x128xi32, #tpu.memory_space<vmem>> -> memref<1x128xi32, #tpu.memory_space<vmem>>
      %dma_wait3A_301 = tpu.memref_squeeze %dma_wait3A_300 : memref<1x128xi32, #tpu.memory_space<vmem>> -> memref<128xi32, #tpu.memory_space<vmem>>
      %dma_wait3A_302 = arith.constant 0 : i32
      %dma_wait3A_303 = arith.constant 0 : i32
      %dma_wait3A_304 = tpu.memref_slice %arg3[%dma_wait3A_297, %dma_wait3A_302, %dma_wait3A_303] : memref<9x124x128xf32, #tpu.memory_space<hbm>> -> memref<1x124x128xf32, #tpu.memory_space<hbm>>
      %dma_wait3A_305 = tpu.memref_squeeze %dma_wait3A_304 : memref<1x124x128xf32, #tpu.memory_space<hbm>> -> memref<124x128xf32, #tpu.memory_space<hbm>>
      %dma_wait3A_306 = arith.constant 0 : i32
      %dma_wait3A_307 = arith.constant 0 : i32
      %dma_wait3A_308 = tpu.memref_slice %dma_wait3A_305[%dma_wait3A_306, %dma_wait3A_307] : memref<124x128xf32, #tpu.memory_space<hbm>> -> memref<124x128xf32, #tpu.memory_space<hbm>>
      tpu.wait_indirect_dma semaphore(%arg8 : memref<!tpu.dma_semaphore, #tpu.memory_space<semaphore_mem>>) src(%dma_wait3A_308 : memref<124x128xf32, #tpu.memory_space<hbm>>) dst(%arg6 : memref<128x128xf32, #tpu.memory_space<vmem>>)
      %dma_start3A_309 = arith.constant 3 : i32
      %dma_start3A_310 = arith.constant 3 : i32
      %dma_start3A_311 = arith.constant 0 : i32
      %dma_start3A_312 = tpu.memref_slice %arg5[%dma_start3A_310, %dma_start3A_311] : memref<9x128xi32, #tpu.memory_space<vmem>> -> memref<1x128xi32, #tpu.memory_space<vmem>>
      %dma_start3A_313 = tpu.memref_squeeze %dma_start3A_312 : memref<1x128xi32, #tpu.memory_space<vmem>> -> memref<128xi32, #tpu.memory_space<vmem>>
      %dma_start3A_314 = arith.constant 0 : i32
      %dma_start3A_315 = arith.constant 0 : i32
      %dma_start3A_316 = tpu.memref_slice %arg3[%dma_start3A_309, %dma_start3A_314, %dma_start3A_315] : memref<9x124x128xf32, #tpu.memory_space<hbm>> -> memref<1x124x128xf32, #tpu.memory_space<hbm>>
      %dma_start3A_317 = tpu.memref_squeeze %dma_start3A_316 : memref<1x124x128xf32, #tpu.memory_space<hbm>> -> memref<124x128xf32, #tpu.memory_space<hbm>>
      %dma_start3A_318 = arith.constant 0 : i32
      %dma_start3A_319 = arith.constant 0 : i32
      %dma_start3A_320 = tpu.memref_slice %dma_start3A_317[%dma_start3A_318, %dma_start3A_319] : memref<124x128xf32, #tpu.memory_space<hbm>> -> memref<124x128xf32, #tpu.memory_space<hbm>>
      tpu.enqueue_indirect_dma source(%dma_start3A_320 : memref<124x128xf32, #tpu.memory_space<hbm>>) target(%arg6 : memref<128x128xf32, #tpu.memory_space<vmem>>) offsets(%dma_start3A_313 : memref<128xi32, #tpu.memory_space<vmem>>) semaphore(%arg8 : memref<!tpu.dma_semaphore, #tpu.memory_space<semaphore_mem>>) {add = true}
      %dma_wait3A_321 = arith.constant 3 : i32
      %dma_wait3A_322 = arith.constant 3 : i32
      %dma_wait3A_323 = arith.constant 0 : i32
      %dma_wait3A_324 = tpu.memref_slice %arg5[%dma_wait3A_322, %dma_wait3A_323] : memref<9x128xi32, #tpu.memory_space<vmem>> -> memref<1x128xi32, #tpu.memory_space<vmem>>
      %dma_wait3A_325 = tpu.memref_squeeze %dma_wait3A_324 : memref<1x128xi32, #tpu.memory_space<vmem>> -> memref<128xi32, #tpu.memory_space<vmem>>
      %dma_wait3A_326 = arith.constant 0 : i32
      %dma_wait3A_327 = arith.constant 0 : i32
      %dma_wait3A_328 = tpu.memref_slice %arg3[%dma_wait3A_321, %dma_wait3A_326, %dma_wait3A_327] : memref<9x124x128xf32, #tpu.memory_space<hbm>> -> memref<1x124x128xf32, #tpu.memory_space<hbm>>
      %dma_wait3A_329 = tpu.memref_squeeze %dma_wait3A_328 : memref<1x124x128xf32, #tpu.memory_space<hbm>> -> memref<124x128xf32, #tpu.memory_space<hbm>>
      %dma_wait3A_330 = arith.constant 0 : i32
      %dma_wait3A_331 = arith.constant 0 : i32
      %dma_wait3A_332 = tpu.memref_slice %dma_wait3A_329[%dma_wait3A_330, %dma_wait3A_331] : memref<124x128xf32, #tpu.memory_space<hbm>> -> memref<124x128xf32, #tpu.memory_space<hbm>>
      tpu.wait_indirect_dma semaphore(%arg8 : memref<!tpu.dma_semaphore, #tpu.memory_space<semaphore_mem>>) src(%dma_wait3A_332 : memref<124x128xf32, #tpu.memory_space<hbm>>) dst(%arg6 : memref<128x128xf32, #tpu.memory_space<vmem>>)
      %dma_start3A_333 = arith.constant 4 : i32
      %dma_start3A_334 = arith.constant 4 : i32
      %dma_start3A_335 = arith.constant 0 : i32
      %dma_start3A_336 = tpu.memref_slice %arg5[%dma_start3A_334, %dma_start3A_335] : memref<9x128xi32, #tpu.memory_space<vmem>> -> memref<1x128xi32, #tpu.memory_space<vmem>>
      %dma_start3A_337 = tpu.memref_squeeze %dma_start3A_336 : memref<1x128xi32, #tpu.memory_space<vmem>> -> memref<128xi32, #tpu.memory_space<vmem>>
      %dma_start3A_338 = arith.constant 0 : i32
      %dma_start3A_339 = arith.constant 0 : i32
      %dma_start3A_340 = tpu.memref_slice %arg3[%dma_start3A_333, %dma_start3A_338, %dma_start3A_339] : memref<9x124x128xf32, #tpu.memory_space<hbm>> -> memref<1x124x128xf32, #tpu.memory_space<hbm>>
      %dma_start3A_341 = tpu.memref_squeeze %dma_start3A_340 : memref<1x124x128xf32, #tpu.memory_space<hbm>> -> memref<124x128xf32, #tpu.memory_space<hbm>>
      %dma_start3A_342 = arith.constant 0 : i32
      %dma_start3A_343 = arith.constant 0 : i32
      %dma_start3A_344 = tpu.memref_slice %dma_start3A_341[%dma_start3A_342, %dma_start3A_343] : memref<124x128xf32, #tpu.memory_space<hbm>> -> memref<124x128xf32, #tpu.memory_space<hbm>>
      tpu.enqueue_indirect_dma source(%dma_start3A_344 : memref<124x128xf32, #tpu.memory_space<hbm>>) target(%arg6 : memref<128x128xf32, #tpu.memory_space<vmem>>) offsets(%dma_start3A_337 : memref<128xi32, #tpu.memory_space<vmem>>) semaphore(%arg8 : memref<!tpu.dma_semaphore, #tpu.memory_space<semaphore_mem>>) {add = true}
      %dma_wait3A_345 = arith.constant 4 : i32
      %dma_wait3A_346 = arith.constant 4 : i32
      %dma_wait3A_347 = arith.constant 0 : i32
      %dma_wait3A_348 = tpu.memref_slice %arg5[%dma_wait3A_346, %dma_wait3A_347] : memref<9x128xi32, #tpu.memory_space<vmem>> -> memref<1x128xi32, #tpu.memory_space<vmem>>
      %dma_wait3A_349 = tpu.memref_squeeze %dma_wait3A_348 : memref<1x128xi32, #tpu.memory_space<vmem>> -> memref<128xi32, #tpu.memory_space<vmem>>
      %dma_wait3A_350 = arith.constant 0 : i32
      %dma_wait3A_351 = arith.constant 0 : i32
      %dma_wait3A_352 = tpu.memref_slice %arg3[%dma_wait3A_345, %dma_wait3A_350, %dma_wait3A_351] : memref<9x124x128xf32, #tpu.memory_space<hbm>> -> memref<1x124x128xf32, #tpu.memory_space<hbm>>
      %dma_wait3A_353 = tpu.memref_squeeze %dma_wait3A_352 : memref<1x124x128xf32, #tpu.memory_space<hbm>> -> memref<124x128xf32, #tpu.memory_space<hbm>>
      %dma_wait3A_354 = arith.constant 0 : i32
      %dma_wait3A_355 = arith.constant 0 : i32
      %dma_wait3A_356 = tpu.memref_slice %dma_wait3A_353[%dma_wait3A_354, %dma_wait3A_355] : memref<124x128xf32, #tpu.memory_space<hbm>> -> memref<124x128xf32, #tpu.memory_space<hbm>>
      tpu.wait_indirect_dma semaphore(%arg8 : memref<!tpu.dma_semaphore, #tpu.memory_space<semaphore_mem>>) src(%dma_wait3A_356 : memref<124x128xf32, #tpu.memory_space<hbm>>) dst(%arg6 : memref<128x128xf32, #tpu.memory_space<vmem>>)
      %dma_start3A_357 = arith.constant 5 : i32
      %dma_start3A_358 = arith.constant 5 : i32
      %dma_start3A_359 = arith.constant 0 : i32
      %dma_start3A_360 = tpu.memref_slice %arg5[%dma_start3A_358, %dma_start3A_359] : memref<9x128xi32, #tpu.memory_space<vmem>> -> memref<1x128xi32, #tpu.memory_space<vmem>>
      %dma_start3A_361 = tpu.memref_squeeze %dma_start3A_360 : memref<1x128xi32, #tpu.memory_space<vmem>> -> memref<128xi32, #tpu.memory_space<vmem>>
      %dma_start3A_362 = arith.constant 0 : i32
      %dma_start3A_363 = arith.constant 0 : i32
      %dma_start3A_364 = tpu.memref_slice %arg3[%dma_start3A_357, %dma_start3A_362, %dma_start3A_363] : memref<9x124x128xf32, #tpu.memory_space<hbm>> -> memref<1x124x128xf32, #tpu.memory_space<hbm>>
      %dma_start3A_365 = tpu.memref_squeeze %dma_start3A_364 : memref<1x124x128xf32, #tpu.memory_space<hbm>> -> memref<124x128xf32, #tpu.memory_space<hbm>>
      %dma_start3A_366 = arith.constant 0 : i32
      %dma_start3A_367 = arith.constant 0 : i32
      %dma_start3A_368 = tpu.memref_slice %dma_start3A_365[%dma_start3A_366, %dma_start3A_367] : memref<124x128xf32, #tpu.memory_space<hbm>> -> memref<124x128xf32, #tpu.memory_space<hbm>>
      tpu.enqueue_indirect_dma source(%dma_start3A_368 : memref<124x128xf32, #tpu.memory_space<hbm>>) target(%arg6 : memref<128x128xf32, #tpu.memory_space<vmem>>) offsets(%dma_start3A_361 : memref<128xi32, #tpu.memory_space<vmem>>) semaphore(%arg8 : memref<!tpu.dma_semaphore, #tpu.memory_space<semaphore_mem>>) {add = true}
      %dma_wait3A_369 = arith.constant 5 : i32
      %dma_wait3A_370 = arith.constant 5 : i32
      %dma_wait3A_371 = arith.constant 0 : i32
      %dma_wait3A_372 = tpu.memref_slice %arg5[%dma_wait3A_370, %dma_wait3A_371] : memref<9x128xi32, #tpu.memory_space<vmem>> -> memref<1x128xi32, #tpu.memory_space<vmem>>
      %dma_wait3A_373 = tpu.memref_squeeze %dma_wait3A_372 : memref<1x128xi32, #tpu.memory_space<vmem>> -> memref<128xi32, #tpu.memory_space<vmem>>
      %dma_wait3A_374 = arith.constant 0 : i32
      %dma_wait3A_375 = arith.constant 0 : i32
      %dma_wait3A_376 = tpu.memref_slice %arg3[%dma_wait3A_369, %dma_wait3A_374, %dma_wait3A_375] : memref<9x124x128xf32, #tpu.memory_space<hbm>> -> memref<1x124x128xf32, #tpu.memory_space<hbm>>
      %dma_wait3A_377 = tpu.memref_squeeze %dma_wait3A_376 : memref<1x124x128xf32, #tpu.memory_space<hbm>> -> memref<124x128xf32, #tpu.memory_space<hbm>>
      %dma_wait3A_378 = arith.constant 0 : i32
      %dma_wait3A_379 = arith.constant 0 : i32
      %dma_wait3A_380 = tpu.memref_slice %dma_wait3A_377[%dma_wait3A_378, %dma_wait3A_379] : memref<124x128xf32, #tpu.memory_space<hbm>> -> memref<124x128xf32, #tpu.memory_space<hbm>>
      tpu.wait_indirect_dma semaphore(%arg8 : memref<!tpu.dma_semaphore, #tpu.memory_space<semaphore_mem>>) src(%dma_wait3A_380 : memref<124x128xf32, #tpu.memory_space<hbm>>) dst(%arg6 : memref<128x128xf32, #tpu.memory_space<vmem>>)
      %dma_start3A_381 = arith.constant 6 : i32
      %dma_start3A_382 = arith.constant 6 : i32
      %dma_start3A_383 = arith.constant 0 : i32
      %dma_start3A_384 = tpu.memref_slice %arg5[%dma_start3A_382, %dma_start3A_383] : memref<9x128xi32, #tpu.memory_space<vmem>> -> memref<1x128xi32, #tpu.memory_space<vmem>>
      %dma_start3A_385 = tpu.memref_squeeze %dma_start3A_384 : memref<1x128xi32, #tpu.memory_space<vmem>> -> memref<128xi32, #tpu.memory_space<vmem>>
      %dma_start3A_386 = arith.constant 0 : i32
      %dma_start3A_387 = arith.constant 0 : i32
      %dma_start3A_388 = tpu.memref_slice %arg3[%dma_start3A_381, %dma_start3A_386, %dma_start3A_387] : memref<9x124x128xf32, #tpu.memory_space<hbm>> -> memref<1x124x128xf32, #tpu.memory_space<hbm>>
      %dma_start3A_389 = tpu.memref_squeeze %dma_start3A_388 : memref<1x124x128xf32, #tpu.memory_space<hbm>> -> memref<124x128xf32, #tpu.memory_space<hbm>>
      %dma_start3A_390 = arith.constant 0 : i32
      %dma_start3A_391 = arith.constant 0 : i32
      %dma_start3A_392 = tpu.memref_slice %dma_start3A_389[%dma_start3A_390, %dma_start3A_391] : memref<124x128xf32, #tpu.memory_space<hbm>> -> memref<124x128xf32, #tpu.memory_space<hbm>>
      tpu.enqueue_indirect_dma source(%dma_start3A_392 : memref<124x128xf32, #tpu.memory_space<hbm>>) target(%arg6 : memref<128x128xf32, #tpu.memory_space<vmem>>) offsets(%dma_start3A_385 : memref<128xi32, #tpu.memory_space<vmem>>) semaphore(%arg8 : memref<!tpu.dma_semaphore, #tpu.memory_space<semaphore_mem>>) {add = true}
      %dma_wait3A_393 = arith.constant 6 : i32
      %dma_wait3A_394 = arith.constant 6 : i32
      %dma_wait3A_395 = arith.constant 0 : i32
      %dma_wait3A_396 = tpu.memref_slice %arg5[%dma_wait3A_394, %dma_wait3A_395] : memref<9x128xi32, #tpu.memory_space<vmem>> -> memref<1x128xi32, #tpu.memory_space<vmem>>
      %dma_wait3A_397 = tpu.memref_squeeze %dma_wait3A_396 : memref<1x128xi32, #tpu.memory_space<vmem>> -> memref<128xi32, #tpu.memory_space<vmem>>
      %dma_wait3A_398 = arith.constant 0 : i32
      %dma_wait3A_399 = arith.constant 0 : i32
      %dma_wait3A_400 = tpu.memref_slice %arg3[%dma_wait3A_393, %dma_wait3A_398, %dma_wait3A_399] : memref<9x124x128xf32, #tpu.memory_space<hbm>> -> memref<1x124x128xf32, #tpu.memory_space<hbm>>
      %dma_wait3A_401 = tpu.memref_squeeze %dma_wait3A_400 : memref<1x124x128xf32, #tpu.memory_space<hbm>> -> memref<124x128xf32, #tpu.memory_space<hbm>>
      %dma_wait3A_402 = arith.constant 0 : i32
      %dma_wait3A_403 = arith.constant 0 : i32
      %dma_wait3A_404 = tpu.memref_slice %dma_wait3A_401[%dma_wait3A_402, %dma_wait3A_403] : memref<124x128xf32, #tpu.memory_space<hbm>> -> memref<124x128xf32, #tpu.memory_space<hbm>>
      tpu.wait_indirect_dma semaphore(%arg8 : memref<!tpu.dma_semaphore, #tpu.memory_space<semaphore_mem>>) src(%dma_wait3A_404 : memref<124x128xf32, #tpu.memory_space<hbm>>) dst(%arg6 : memref<128x128xf32, #tpu.memory_space<vmem>>)
      %dma_start3A_405 = arith.constant 7 : i32
      %dma_start3A_406 = arith.constant 7 : i32
      %dma_start3A_407 = arith.constant 0 : i32
      %dma_start3A_408 = tpu.memref_slice %arg5[%dma_start3A_406, %dma_start3A_407] : memref<9x128xi32, #tpu.memory_space<vmem>> -> memref<1x128xi32, #tpu.memory_space<vmem>>
      %dma_start3A_409 = tpu.memref_squeeze %dma_start3A_408 : memref<1x128xi32, #tpu.memory_space<vmem>> -> memref<128xi32, #tpu.memory_space<vmem>>
      %dma_start3A_410 = arith.constant 0 : i32
      %dma_start3A_411 = arith.constant 0 : i32
      %dma_start3A_412 = tpu.memref_slice %arg3[%dma_start3A_405, %dma_start3A_410, %dma_start3A_411] : memref<9x124x128xf32, #tpu.memory_space<hbm>> -> memref<1x124x128xf32, #tpu.memory_space<hbm>>
      %dma_start3A_413 = tpu.memref_squeeze %dma_start3A_412 : memref<1x124x128xf32, #tpu.memory_space<hbm>> -> memref<124x128xf32, #tpu.memory_space<hbm>>
      %dma_start3A_414 = arith.constant 0 : i32
      %dma_start3A_415 = arith.constant 0 : i32
      %dma_start3A_416 = tpu.memref_slice %dma_start3A_413[%dma_start3A_414, %dma_start3A_415] : memref<124x128xf32, #tpu.memory_space<hbm>> -> memref<124x128xf32, #tpu.memory_space<hbm>>
      tpu.enqueue_indirect_dma source(%dma_start3A_416 : memref<124x128xf32, #tpu.memory_space<hbm>>) target(%arg6 : memref<128x128xf32, #tpu.memory_space<vmem>>) offsets(%dma_start3A_409 : memref<128xi32, #tpu.memory_space<vmem>>) semaphore(%arg8 : memref<!tpu.dma_semaphore, #tpu.memory_space<semaphore_mem>>) {add = true}
      %dma_wait3A_417 = arith.constant 7 : i32
      %dma_wait3A_418 = arith.constant 7 : i32
      %dma_wait3A_419 = arith.constant 0 : i32
      %dma_wait3A_420 = tpu.memref_slice %arg5[%dma_wait3A_418, %dma_wait3A_419] : memref<9x128xi32, #tpu.memory_space<vmem>> -> memref<1x128xi32, #tpu.memory_space<vmem>>
      %dma_wait3A_421 = tpu.memref_squeeze %dma_wait3A_420 : memref<1x128xi32, #tpu.memory_space<vmem>> -> memref<128xi32, #tpu.memory_space<vmem>>
      %dma_wait3A_422 = arith.constant 0 : i32
      %dma_wait3A_423 = arith.constant 0 : i32
      %dma_wait3A_424 = tpu.memref_slice %arg3[%dma_wait3A_417, %dma_wait3A_422, %dma_wait3A_423] : memref<9x124x128xf32, #tpu.memory_space<hbm>> -> memref<1x124x128xf32, #tpu.memory_space<hbm>>
      %dma_wait3A_425 = tpu.memref_squeeze %dma_wait3A_424 : memref<1x124x128xf32, #tpu.memory_space<hbm>> -> memref<124x128xf32, #tpu.memory_space<hbm>>
      %dma_wait3A_426 = arith.constant 0 : i32
      %dma_wait3A_427 = arith.constant 0 : i32
      %dma_wait3A_428 = tpu.memref_slice %dma_wait3A_425[%dma_wait3A_426, %dma_wait3A_427] : memref<124x128xf32, #tpu.memory_space<hbm>> -> memref<124x128xf32, #tpu.memory_space<hbm>>
      tpu.wait_indirect_dma semaphore(%arg8 : memref<!tpu.dma_semaphore, #tpu.memory_space<semaphore_mem>>) src(%dma_wait3A_428 : memref<124x128xf32, #tpu.memory_space<hbm>>) dst(%arg6 : memref<128x128xf32, #tpu.memory_space<vmem>>)
      %dma_start3A_429 = arith.constant 8 : i32
      %dma_start3A_430 = arith.constant 8 : i32
      %dma_start3A_431 = arith.constant 0 : i32
      %dma_start3A_432 = tpu.memref_slice %arg5[%dma_start3A_430, %dma_start3A_431] : memref<9x128xi32, #tpu.memory_space<vmem>> -> memref<1x128xi32, #tpu.memory_space<vmem>>
      %dma_start3A_433 = tpu.memref_squeeze %dma_start3A_432 : memref<1x128xi32, #tpu.memory_space<vmem>> -> memref<128xi32, #tpu.memory_space<vmem>>
      %dma_start3A_434 = arith.constant 0 : i32
      %dma_start3A_435 = arith.constant 0 : i32
      %dma_start3A_436 = tpu.memref_slice %arg3[%dma_start3A_429, %dma_start3A_434, %dma_start3A_435] : memref<9x124x128xf32, #tpu.memory_space<hbm>> -> memref<1x124x128xf32, #tpu.memory_space<hbm>>
      %dma_start3A_437 = tpu.memref_squeeze %dma_start3A_436 : memref<1x124x128xf32, #tpu.memory_space<hbm>> -> memref<124x128xf32, #tpu.memory_space<hbm>>
      %dma_start3A_438 = arith.constant 0 : i32
      %dma_start3A_439 = arith.constant 0 : i32
      %dma_start3A_440 = tpu.memref_slice %dma_start3A_437[%dma_start3A_438, %dma_start3A_439] : memref<124x128xf32, #tpu.memory_space<hbm>> -> memref<124x128xf32, #tpu.memory_space<hbm>>
      tpu.enqueue_indirect_dma source(%dma_start3A_440 : memref<124x128xf32, #tpu.memory_space<hbm>>) target(%arg6 : memref<128x128xf32, #tpu.memory_space<vmem>>) offsets(%dma_start3A_433 : memref<128xi32, #tpu.memory_space<vmem>>) semaphore(%arg8 : memref<!tpu.dma_semaphore, #tpu.memory_space<semaphore_mem>>) {add = true}
      %dma_wait3A_441 = arith.constant 8 : i32
      %dma_wait3A_442 = arith.constant 8 : i32
      %dma_wait3A_443 = arith.constant 0 : i32
      %dma_wait3A_444 = tpu.memref_slice %arg5[%dma_wait3A_442, %dma_wait3A_443] : memref<9x128xi32, #tpu.memory_space<vmem>> -> memref<1x128xi32, #tpu.memory_space<vmem>>
      %dma_wait3A_445 = tpu.memref_squeeze %dma_wait3A_444 : memref<1x128xi32, #tpu.memory_space<vmem>> -> memref<128xi32, #tpu.memory_space<vmem>>
      %dma_wait3A_446 = arith.constant 0 : i32
      %dma_wait3A_447 = arith.constant 0 : i32
      %dma_wait3A_448 = tpu.memref_slice %arg3[%dma_wait3A_441, %dma_wait3A_446, %dma_wait3A_447] : memref<9x124x128xf32, #tpu.memory_space<hbm>> -> memref<1x124x128xf32, #tpu.memory_space<hbm>>
      %dma_wait3A_449 = tpu.memref_squeeze %dma_wait3A_448 : memref<1x124x128xf32, #tpu.memory_space<hbm>> -> memref<124x128xf32, #tpu.memory_space<hbm>>
      %dma_wait3A_450 = arith.constant 0 : i32
      %dma_wait3A_451 = arith.constant 0 : i32
      %dma_wait3A_452 = tpu.memref_slice %dma_wait3A_449[%dma_wait3A_450, %dma_wait3A_451] : memref<124x128xf32, #tpu.memory_space<hbm>> -> memref<124x128xf32, #tpu.memory_space<hbm>>
      tpu.wait_indirect_dma semaphore(%arg8 : memref<!tpu.dma_semaphore, #tpu.memory_space<semaphore_mem>>) src(%dma_wait3A_452 : memref<124x128xf32, #tpu.memory_space<hbm>>) dst(%arg6 : memref<128x128xf32, #tpu.memory_space<vmem>>)
      "tpu.region"() ({
        %run_scoped3A = tpu.sem_alloc : memref<!tpu.dma_semaphore, #tpu.memory_space<semaphore_mem>>
        %dma_start3A_453 = arith.constant 0 : i32
        %dma_start3A_454 = tpu.memref_slice %arg4[%select_n3A_40, %dma_start3A_453] : memref<100000x128xf32, #tpu.memory_space<hbm>> -> memref<128x128xf32, #tpu.memory_space<hbm>>
        %dma_start3A_455 = arith.constant 0 : i32
        %dma_start3A_456 = tpu.memref_slice %arg4[%select_n3A_40, %dma_start3A_455] : memref<100000x128xf32, #tpu.memory_space<hbm>> -> memref<128x128xf32, #tpu.memory_space<hbm>>
        tpu.enqueue_dma source(%arg6 : memref<128x128xf32, #tpu.memory_space<vmem>>) target(%dma_start3A_456 : memref<128x128xf32, #tpu.memory_space<hbm>>) target_semaphore(%run_scoped3A : memref<!tpu.dma_semaphore, #tpu.memory_space<semaphore_mem>>)
        %dma_wait3A_457 = arith.constant 0 : i32
        %dma_wait3A_458 = tpu.memref_slice %arg4[%select_n3A_40, %dma_wait3A_457] : memref<100000x128xf32, #tpu.memory_space<hbm>> -> memref<128x128xf32, #tpu.memory_space<hbm>>
        %dma_wait3A_459 = arith.constant 0 : i32
        %dma_wait3A_460 = tpu.memref_slice %arg4[%select_n3A_40, %dma_wait3A_459] : memref<100000x128xf32, #tpu.memory_space<hbm>> -> memref<128x128xf32, #tpu.memory_space<hbm>>
        tpu.wait_dma2 semaphore(%run_scoped3A : memref<!tpu.dma_semaphore, #tpu.memory_space<semaphore_mem>>) src(%arg6 : memref<128x128xf32, #tpu.memory_space<vmem>>) dst(%dma_wait3A_460 : memref<128x128xf32, #tpu.memory_space<hbm>>)
        tpu.yield
      }) : () -> ()
    }
    return
  }
}

</mosaic_0001>

<sc_bundles>
// kernel: kernel.3.cloned.1.call-start
scs
__scs_entry_jumppad:
0x0: {  	(pc) =	sbr.rel $0x88, $3  }
0x1: {  	(tag) =	ssettag $0x0;
	lr =	simm.s32 $0x1  }
0x2: {  	[smem:$0x3F9F] =	sst lr;
	_ =	strace $0xD0000000  }
0x3: {  	_ = 	snop  }
0x4: {  	_ = 	snop  }
0x5: {  	_ = 	snop  }
0x6: {  	_ = 	snop  }
0x7: {  	_ = 	snop  }
__scs_overlays_trampoline_lowered:
0x8: {  	[smem:$0x3FAE] =	sst s0  }
0x9: {  	[smem:$0x3FAF] =	sst s1  }
0xa: {  	[smem:$0x3FB0] =	sst s2  }
0xb: {  	[smem:$0x3FB1] =	sst s3  }
0xc: {  	[smem:$0x3FB2] =	sst s4  }
0xd: {  	[smem:$0x3FB3] =	sst s5  }
0xe: {  	[smem:$0x3FB4] =	sst s6  }
0xf: {  	[smem:$0x3FB5] =	sst s7  }
0x10: {  	[smem:$0x3FB6] =	sst s8  }
0x11: {  	[smem:$0x3FB7] =	sst s9;
	s0 =	simm.s32 @!p0 $0x0  }
0x12: {  	s1 =	sld [smem:$0x3F9D];
	s0 =	simm.s32 @p0 $0x1  }
0x13: {  	[smem:$0x3FB8] =	sst s0;
	s0 =	simm.s32 @!p1 $0x0  }
0x14: {  	s2 =	sld [smem:$0x3F9C];
	s0 =	simm.s32 @p1 $0x1  }
0x15: {  	[smem:$0x3FB9] =	sst s0;
	s0 =	simm.s32 @!p2 $0x0  }
0x16: {  	s3 =	sld [smem:$0x3FDB];
	s0 =	simm.s32 @p2 $0x1  }
0x17: {  	s4 =	simm.s32 $0x1BF5;
	[smem:$0x3FBB] =	sst s0  }
0x18: {  	s0 =	sld [smem:$0x3F9E];
	_ =	swait.ge [sflag:s4], $0x0  }
0x19: {  	s7 =	sld [smem:$0x3F9F]  }
0x1a: {  	s8 =	sadd.s32 $0xFFFFE003, lr  }
0x1b: {  	s9 =	sadd.s32 $0xFFFFFEF7, lr;
	s5 =	simm.s32 $0xFFFFFFFF;
	p2 =	slt.u32 s8, $0xFFFFF086  }
0x1c: {  	p1 =	slt.u32 s9, $0xF7A;
	s5 =	simm.s32 @!p2 $0x0  }
0x1d: {  	s5 =	simm.s32 @p1 $0x1;
	p0 =	seq.s32 s7, s2  }
0x1e: {  	s7 =	smul.u32 @!p0 $0xF7A, s2;
	p2 =	seq.s32 @!p0 s5, $0x0  }
0x1f: {  	s9 =	smul.u32 $0xF7A, s1;
	s8 =	simm.s32 @!p0 $0x1BF5;
	p2 =	por !p2, p0  }
0x20: {  	[sflag:s8] =	ssyncset.s32 @!p0 $0xFFFFF086;
	s6 =	sadd.s32 @!p0 s3, s7;
	s7 =	simm.s32 @!p0 $0x108  }
0x21: {  	s3 =	sadd.s32 s3, s9;
	s6 =	sadd.s32 @!p0 $0x88, s6;
	s7 =	simm.s32 @p2 $0x1082  }
0x22: {  	[simem:s7], [sflag:s8] =	dma.local @!p0 [hbm:s6], $0xF7A  }
0x23: {  	s9 =	sor.u32 $0xD0000000, s2;
	s6 =	simm.s32 $0x108;
	_ =	swait.ge @!p0 [sflag:s8], $0x0  }
0x24: {  	s3 =	sadd.s32 $0x88, s3;
	s6 =	simm.s32 @!p1 $0x1082;
	[sflag:s4] =	ssyncset.s32 $0xFFFFF086  }
0x25: {  	[simem:s6], [sflag:s4] =	dma.local [hbm:s3], $0xF7A  }
0x26: {  	[smem:$0x3F9F] =	sst s1;
	(tag) =	ssettag s2;
	_ =	strace s9  }
0x27: {  	s1 =	sld [smem:$0x3FAF]  }
0x28: {  	s2 =	sld [smem:$0x3FB0]  }
0x29: {  	s4 =	sld [smem:$0x3FB2]  }
0x2a: {  	p0 =	seq.s32 s5, $0x0;
	s5 =	sld [smem:$0x3FB3]  }
0x2b: {  	s6 =	sld [smem:$0x3FB4]  }
0x2c: {  	s7 =	sld [smem:$0x3FB5]  }
0x2d: {  	s3 =	simm.s32 $0x108;
	s8 =	sld [smem:$0x3FB6]  }
0x2e: {  	s3 =	simm.s32 @!p0 $0x1082;
	s9 =	sld [smem:$0x3FB7]  }
0x2f: {  	lr =	sadd.s32 s0, s3;
	s0 =	sld [smem:$0x3FAE]  }
0x30: {  	s3 =	sld [smem:$0x3FB1]  }
0x31: {  	[smem:$0x3FBA] =	sst s10  }
0x32: {  	s10 =	sld [smem:$0x3FB8];
	_ =	sdelay $0x3  }
0x33: {  	p0 =	seq.s32 s10, $0x1;
	s10 =	sld [smem:$0x3FBA];
	_ =	sdelay $0x3  }
0x34: {  	[smem:$0x3FBA] =	sst s10  }
0x35: {  	s10 =	sld [smem:$0x3FB9];
	_ =	sdelay $0x3  }
0x36: {  	p1 =	seq.s32 s10, $0x1;
	s10 =	sld [smem:$0x3FBA];
	_ =	sdelay $0x3  }
0x37: {  	[smem:$0x3FBA] =	sst s10  }
0x38: {  	s10 =	sld [smem:$0x3FBB]  }
0x39: {  	_ = 	snop;
	(pc) =	sbr.ind lr, $3  }
0x3a: {  	_ = 	snop  }
0x3b: {  	_ = 	snop  }
0x3c: {  	p2 =	seq.s32 s10, $0x1;
	s10 =	sld [smem:$0x3FBA]  }
0x3d: {  	_ =	shalt  }
0x3e: {  	_ =	shalt  }
0x3f: {  	_ =	shalt  }
0x40: {  	_ =	shalt  }
0x41: {  	_ =	shalt  }
0x42: {  	_ =	shalt  }
0x43: {  	_ =	shalt  }
0x44: {  	_ =	shalt  }
0x45: {  	_ =	shalt  }
0x46: {  	_ =	shalt  }
0x47: {  	_ =	shalt  }
0x48: {  	_ =	shalt  }
0x49: {  	_ =	shalt  }
0x4a: {  	_ =	shalt  }
0x4b: {  	_ =	shalt  }
0x4c: {  	_ =	shalt  }
0x4d: {  	_ =	shalt  }
0x4e: {  	_ =	shalt  }
0x4f: {  	_ =	shalt  }
0x50: {  	_ =	shalt  }
0x51: {  	_ =	shalt  }
0x52: {  	_ =	shalt  }
0x53: {  	_ =	shalt  }
0x54: {  	_ =	shalt  }
0x55: {  	_ =	shalt  }
0x56: {  	_ =	shalt  }
0x57: {  	_ =	shalt  }
0x58: {  	_ =	shalt  }
0x59: {  	_ =	shalt  }
0x5a: {  	_ =	shalt  }
0x5b: {  	_ =	shalt  }
0x5c: {  	_ =	shalt  }
0x5d: {  	_ =	shalt  }
0x5e: {  	_ =	shalt  }
0x5f: {  	_ =	shalt  }
0x60: {  	_ =	shalt  }
0x61: {  	_ =	shalt  }
0x62: {  	_ =	shalt  }
0x63: {  	_ =	shalt  }
0x64: {  	_ =	shalt  }
0x65: {  	_ =	shalt  }
0x66: {  	_ =	shalt  }
0x67: {  	_ =	shalt  }
0x68: {  	_ =	shalt  }
0x69: {  	_ =	shalt  }
0x6a: {  	_ =	shalt  }
0x6b: {  	_ =	shalt  }
0x6c: {  	_ =	shalt  }
0x6d: {  	_ =	shalt  }
0x6e: {  	_ =	shalt  }
0x6f: {  	_ =	shalt  }
0x70: {  	_ =	shalt  }
0x71: {  	_ =	shalt  }
0x72: {  	_ =	shalt  }
0x73: {  	_ =	shalt  }
0x74: {  	_ =	shalt  }
0x75: {  	_ =	shalt  }
0x76: {  	_ =	shalt  }
0x77: {  	_ =	shalt  }
0x78: {  	_ =	shalt  }
0x79: {  	_ =	shalt  }
0x7a: {  	_ =	shalt  }
0x7b: {  	_ =	shalt  }
0x7c: {  	_ =	shalt  }
0x7d: {  	_ =	shalt  }
0x7e: {  	_ =	shalt  }
0x7f: {  	_ =	shalt  }
0x80: {  	_ =	shalt  }
0x81: {  	_ =	shalt  }
0x82: {  	_ =	shalt  }
0x83: {  	_ =	shalt  }
0x84: {  	_ =	shalt  }
0x85: {  	_ =	shalt  }
0x86: {  	_ =	shalt  }
0x87: {  	_ =	shalt  }
.Lfunc_end0:
.L_simem_size_0:
called_computation_lowered:
.L_overlay_start_0:
0x88: {  	s2 =	sld [smem:$0x3FD9]  }
0x89: {  	s3 =	sld [smem:$0x3FFE];
	_ =	sdelay $0x1  }
0x8a: {  	s1 =	srdreg.scid  }
0x8b: {  	s0 =	sand.u32 $0x1, s1  }
0x8c: {  	s17 =	sshll.u32 s0, $0xA;
	s2 =	sadd.s32 s3, s2  }
0x8d: {  	s2 =	sadd.s32 s2, s17  }
0x8e: {  	[smem:$0x3FC6] =	sst s2  }
0x8f: {  	_ = 	snop  }
0x90: {  	s2 =	sld [smem:$0x3FC8]  }
0x91: {  	s18 =	sld [smem:$0x3FD0];
	(tm) =	ssettm $0x1  }
0x92: {  	s4 =	sld [smem:$0x3FFB];
	_ =	sdelay $0x3  }
0x93: {  	_ =	strace s4  }
0x94: {  	s4 =	sld [smem:$0x3FFC];
	_ =	sdelay $0x3  }
0x95: {  	_ =	strace s4  }
0x96: {  	s4 =	sld [smem:$0x3FFD];
	_ =	sdelay $0x3  }
0x97: {  	_ =	strace s4  }
0x98: {  	_ =	strace $0x8FFFFFFF  }
0x99: {  	s19 =	sld [smem:$0x3FDB];
	_ =	sdelay $0x1  }
0x9a: {  	s5 =	simm.s32 $_scs_section_size  }
0x9b: {  	s6 =	simm.s32 $_size__tile_overlayer_lowered;
	s7 =	simm.s32 $_tile_overlayer_lowered  }
0x9c: {  	s22 =	simm.s32 $0x1BFF;
	s21 =	sshll.u32 s7, $0x1;
	s4 =	sadd.s32 s5, s19  }
0x9d: {  	s8 =	simm.s32 $0x0;
	s20 =	sshll.u32 s6, $0x1;
	s6 =	sadd.s32 s21, s4  }
0x9e: {  	[timem:s8], [sflag:s22] =	dma.local [hbm:s6], s20  }
0x9f: {  	_ =	swait.ge [sflag:s22], s20  }
0xa0: {  	s5 =	ssub.s32 $0x0, s20;
	[sflag:s22] =	ssyncset.done $0x0  }
0xa1: {  	[sflag:s22] =	ssyncadd.s32 s5;
	_ =	sdelay $0x1  }
0xa2: {  	s23 =	simm.s32 $0x1B8B  }
0xa3: {  	_ =	swait.ge [sflag:s23], $0x1  }
0xa4: {  	[sflag:s23] =	ssyncset.done $0x0  }
0xa5: {  	s25 =	simm.s32 $0x1B8E;
	s24 =	sld [smem:$0x3FFE];
	[sflag:s23] =	ssyncadd.s32 $0xFFFFFFFF  }
0xa6: {  	s26 =	simm.s32 $execute0_lowered;
	[smem:$0x3FD2] =	sst s25  }
0xa7: {  	s6 =	sshll.u32 s26, $0x1;
	_ =	strace $0x80000046;
	[dreg:$0x1] =	wrdreg $0xFFFFFFFF  }
0xa8: {  	s28 =	simm.s32 $_size_execute0_lowered;
	s4 =	sadd.s32 s4, s6;
	[dreg:$0x0] =	wrdreg $0x0  }
0xa9: {  	s6 =	sshll.u32 s28, $0x1;
	[dreg:$0x2] =	wrdreg s4  }
0xaa: {  	[dreg:$0x3] =	wrdreg s6  }
0xab: {  	[dreg:$0x4] =	wrdreg $0xC0  }
0xac: {  	_ =	task [dreg:s8], $0x5FFFF  }
0xad: {  	[dreg:$0x1] =	wrdreg $0xFFFFFFFF  }
0xae: {  	[dreg:$0x0] =	wrdreg $0x60  }
0xaf: {  	[dreg:$0x2] =	wrdreg s24  }
0xb0: {  	[dreg:$0x3] =	wrdreg s2  }
0xb1: {  	[dreg:$0x4] =	wrdreg s18  }
0xb2: {  	[dreg:$0x5] =	wrdreg $0x9  }
0xb3: {  	_ =	task.clear_ibuf [dreg:s8], $0x6FFFF;
	_ =	strace $0x90000046  }
0xb4: {  	s29 =	simm.s32 $0x9;
	_ =	strace $0x80000048  }
0xb5: {  	_ =	swait.ge [sflag:s29], $0x1  }
0xb6: {  	[sflag:s29] =	ssyncadd.s32 $0xFFFFFFFF  }
0xb7: {  	_ =	strace $0x90000048  }
0xb8: {  	_ =	sfence  }
0xb9: {  	s30 =	sld [smem:$0x0];
	_ =	sdelay $0x2  }
0xba: {  	s31 =	sshll.u32 s1, $0xD;
	s1 =	sshrl.u32 s1, $0x2  }
0xbb: {  	s3 =	sand.u32 $0x4000, s31;
	s1 =	sadd.s32 s1, s30  }
0xbc: {  	s0 =	sor.u32 s3, s0;
	s1 =	sshll.u32 s1, $0x11  }
0xbd: {  	s0 =	sor.u32 s1, s0  }
0xbe: {  	s0 =	sadd.s32 $0x8F2B, s0  }
0xbf: {  	[sflag:s0] =	ssyncadd.remote.s32 $0x1  }
0xc0: {  	_ =	sfence.sel $0xFFFF  }
0xc1: {  	[dreg:$0x0] =	wrdreg $0xFFFFFFFF;
	(pc) =	sbr.abs _section_cstart, $3  }
0xc2: {  	[dreg:$0x1] =	wrdreg $0xFFFFFFFF  }
0xc3: {  	_ =	task.clear_ibuf [dreg:s8], $0x2FFFF;
	_ =	strace $0x9FFFFFFF  }
0xc4: {  	(tm) =	ssettm $0x7FFFFFFF  }
0xc5: {  	_ =	shalt  }
tec
execute0_lowered:
.L_overlay_start_1:
0x0: {  	(tag) =	ssettag $0x1  }
0x1: {  	s3 =	rddreg [dreg:$0x0]  }
0x2: {  	s1 =	rddreg [dreg:$0x1]  }
0x3: {  	s0 =	rddreg [dreg:$0x2];
	s2 =	simm.s32 $0x0;
	s5 =	srdreg.scid  }
0x4: {  	s11 =	simm.s32 $0x180;
	s12 =	simm.s32 $0x200;
	s13 =	simm.s32 $0x280  }
0x5: {  	s14 =	simm.s32 $0x300;
	s15 =	simm.s32 $0x380;
	[dreg:$0x4] =	wrdreg s0  }
0x6: {  	s16 =	simm.s32 $0x400;
	s17 =	simm.s32 $0x1;
	s0 =	rddreg [dreg:$0x3]  }
0x7: {  	s18 =	simm.s32 $0x800;
	[smem:$0x7FF] =	sst s2;
	s6 =	sadd.s32 $0x800, s1  }
0x8: {  	s21 =	sadd.s32 $0x1000, s1;
	_ =	strace $0x80000047;
	[dreg:$0x5] =	wrdreg s6  }
0x9: {  	s19 =	simm.s32 $0x2;
	s22 =	sadd.s32 $0x1800, s1;
	[dreg:$0x6] =	wrdreg s21  }
0xa: {  	s20 =	simm.s32 $0x3;
	s24 =	sadd.s32 $0x2000, s1;
	[dreg:$0x7] =	wrdreg s22  }
0xb: {  	s4 =	sadd.s32 $0x400, s3;
	s25 =	sadd.s32 $0x2800, s1;
	[dreg:$0x8] =	wrdreg s24  }
0xc: {  	s3 =	stileid.u32;
	s26 =	sadd.s32 $0x3000, s1;
	[dreg:$0x9] =	wrdreg s25  }
0xd: {  	s7 =	sand.u32 $0x1, s5;
	s29 =	sadd.s32 $0x3800, s1;
	[dreg:$0xa] =	wrdreg s26  }
0xe: {  	s30 =	sadd.s32 $0x4000, s1;
	s23 =	ssub.s32 $0x2, s7;
	[dreg:$0xb] =	wrdreg s29  }
0xf: {  	s28 =	sshll.u32 s3, $0x1;
	[dreg:$0xc] =	wrdreg s30;
	s8 =	sshrl.u32 s23, $0x1  }
0x10: {  	s9 =	sshll.u32 s3, $0x8;
	s10 =	sshll.u32 s7, $0x7;
	s6 =	ssub.s32 s23, s8  }
0x11: {  	s21 =	simm.s32 $0x0;
	s8 =	sor.u32 s28, s7;
	s5 =	smax.u32 s6, $0x1  }
0x12: {  	s31 =	ssub.s32 $0x32D, s8;
	s7 =	ssub.s32 $0x30D, s8;
	s8 =	sor.u32 s10, s9  }
0x13: {  	s9 =	simm.s32 $0x80;
	s10 =	simm.s32 $0x100;
	s6 =	sshrl.u32 s31, $0x5  }
.LBB2_1:
0x14: {  	p1 =	sne.s32 s6, $0x1  }
.Ltmp0:
0x15: {  	_ = 	snop;
	(pc) =	sbr.rel @!p1 .LBB2_4-.Ltmp0, $3  }
0x16: {  	_ =	sdelay $0x1  }
0x17: {  	p0 =	seq.s32 s7, $0x0;
	s22 =	smov.u32 s8  }
0x18: {  	s25 =	sadd.s32 $0xFFFFFFFF, s6;
	s22 =	simm.s32 @p0 $0x18620;
	p0 =	por $0x0, $0x0  }
0x19: {  	s23 =	sshrl.u32 s22, $0x3;
	s24 =	sadd.s32 $0x186A0, s22  }
0x1a: {  	s31 =	sadd.s32 $0x30D40, s22;
	s23 =	sadd.s32 s4, s23;
	s30 =	sshrl.u32 s24, $0x3  }
0x1b: {  	[tilespmem:s2], [sflag:$0x1] =	stream.linear.gather [hbm4b:s23+s2], $0x80, $0x38;
	[tilespmem:$0x4800] =	vst v63  }
0x1c: {  	s26 =	sadd.s32 $0x493E0, s22;
	s24 =	sshrl.u32 s31, $0x3;
	s23 =	sadd.s32 s4, s30  }
0x1d: {  	[tilespmem:s9], [sflag:$0x1] =	stream.linear.gather [hbm4b:s23+s2], $0x80, $0x38;
	[tilespmem:$0x4800] =	vst v63  }
0x1e: {  	s28 =	sadd.s32 $0x61A80, s22;
	s26 =	sshrl.u32 s26, $0x3;
	s24 =	sadd.s32 s4, s24  }
0x1f: {  	[tilespmem:s10], [sflag:$0x1] =	stream.linear.gather [hbm4b:s24+s2], $0x80, $0x38;
	[tilespmem:$0x4800] =	vst v63  }
0x20: {  	s31 =	sadd.s32 $0x7A120, s22;
	s29 =	sadd.s32 s4, s26;
	s30 =	sshrl.u32 s28, $0x3  }
0x21: {  	[tilespmem:s11], [sflag:$0x1] =	stream.linear.gather [hbm4b:s29+s2], $0x80, $0x38;
	[tilespmem:$0x4800] =	vst v63  }
0x22: {  	s26 =	sshrl.u32 s31, $0x3;
	s28 =	sadd.s32 $0x927C0, s22;
	s24 =	sadd.s32 s4, s30  }
0x23: {  	[tilespmem:s12], [sflag:$0x1] =	stream.linear.gather [hbm4b:s24+s2], $0x80, $0x38;
	[tilespmem:$0x4800] =	vst v63  }
0x24: {  	s31 =	sadd.s32 $0xAAE60, s22;
	s30 =	sshrl.u32 s28, $0x3;
	s29 =	sadd.s32 s4, s26  }
0x25: {  	[tilespmem:s13], [sflag:$0x1] =	stream.linear.gather [hbm4b:s29+s2], $0x80, $0x38;
	[tilespmem:$0x4800] =	vst v63  }
0x26: {  	s28 =	sshrl.u32 s31, $0x3;
	s24 =	sadd.s32 s4, s30;
	s29 =	sadd.s32 $0xC3500, s22  }
0x27: {  	[tilespmem:s14], [sflag:$0x1] =	stream.linear.gather [hbm4b:s24+s2], $0x80, $0x38;
	[tilespmem:$0x4800] =	vst v63  }
0x28: {  	s30 =	sadd.s32 s4, s28;
	s31 =	sshrl.u32 s29, $0x3  }
0x29: {  	[tilespmem:s15], [sflag:$0x1] =	stream.linear.gather [hbm4b:s30+s2], $0x80, $0x38;
	[tilespmem:$0x4800] =	vst v63  }
0x2a: {  	s26 =	sadd.s32 s4, s31  }
0x2b: {  	[tilespmem:s16], [sflag:$0x1] =	stream.linear.gather [hbm4b:s26+s2], $0x80, $0x38;
	[tilespmem:$0x4800] =	vst v63  }
0x2c: {  	_ =	swait.ge [sflag:s17], $0x80  }
0x2d: {  	[sflag:s17] =	ssyncset.done $0x0  }
0x2e: {  	[sflag:s17] =	ssyncadd.s32 $0xFFFFFF80  }
0x2f: {  	_ =	swait.ge [sflag:s17], $0x80  }
0x30: {  	[sflag:s17] =	ssyncset.done $0x0  }
0x31: {  	[sflag:s17] =	ssyncadd.s32 $0xFFFFFF80  }
0x32: {  	_ =	swait.ge [sflag:s17], $0x80  }
0x33: {  	[sflag:s17] =	ssyncset.done $0x0  }
0x34: {  	[sflag:s17] =	ssyncadd.s32 $0xFFFFFF80  }
0x35: {  	_ =	swait.ge [sflag:s17], $0x80  }
0x36: {  	[sflag:s17] =	ssyncset.done $0x0  }
0x37: {  	[sflag:s17] =	ssyncadd.s32 $0xFFFFFF80  }
0x38: {  	_ =	swait.ge [sflag:s17], $0x80  }
0x39: {  	[sflag:s17] =	ssyncset.done $0x0  }
0x3a: {  	[sflag:s17] =	ssyncadd.s32 $0xFFFFFF80  }
0x3b: {  	_ =	swait.ge [sflag:s17], $0x80  }
0x3c: {  	[sflag:s17] =	ssyncset.done $0x0  }
0x3d: {  	[sflag:s17] =	ssyncadd.s32 $0xFFFFFF80  }
0x3e: {  	_ =	swait.ge [sflag:s17], $0x80  }
0x3f: {  	[sflag:s17] =	ssyncset.done $0x0  }
0x40: {  	[sflag:s17] =	ssyncadd.s32 $0xFFFFFF80  }
0x41: {  	_ =	swait.ge [sflag:s17], $0x80  }
0x42: {  	[sflag:s17] =	ssyncset.done $0x0  }
0x43: {  	[sflag:s17] =	ssyncadd.s32 $0xFFFFFF80  }
0x44: {  	_ =	swait.ge [sflag:s17], $0x80  }
0x45: {  	[sflag:s17] =	ssyncset.done $0x0  }
0x46: {  	[sflag:s17] =	ssyncadd.s32 $0xFFFFFF80  }
0x47: {  	[tilespmem:s18], [sflag:$0x2] =	stream.indirect.gather [hbm4b:s1+s9], $0x80, s2, s9, $0xb8;
	[tilespmem:$0x4800] =	vst v63  }
0x48: {  	_ =	swait.ge [sflag:s19], $0x4000  }
0x49: {  	[sflag:s19] =	ssyncset.done $0x0  }
0x4a: {  	s28 =	rddreg [dreg:$0x5];
	[sflag:s19] =	ssyncadd.s32 $0xFFFFC000  }
0x4b: {  	[tilespmem:s18], [sflag:$0x2] =	stream.indirect.gather.add.f32 [hbm:s28], $0x80, s9, s9, $0xb8;
	[tilespmem:$0x4800] =	vst v63  }
0x4c: {  	_ =	swait.ge [sflag:s19], $0x4000  }
0x4d: {  	[sflag:s19] =	ssyncset.done $0x0  }
0x4e: {  	s29 =	rddreg [dreg:$0x6];
	[sflag:s19] =	ssyncadd.s32 $0xFFFFC000  }
0x4f: {  	[tilespmem:s18], [sflag:$0x2] =	stream.indirect.gather.add.f32 [hbm:s29], $0x80, s10, s9, $0xb8;
	[tilespmem:$0x4800] =	vst v63  }
0x50: {  	_ =	swait.ge [sflag:s19], $0x4000  }
0x51: {  	[sflag:s19] =	ssyncset.done $0x0  }
0x52: {  	s30 =	rddreg [dreg:$0x7];
	[sflag:s19] =	ssyncadd.s32 $0xFFFFC000  }
0x53: {  	[tilespmem:s18], [sflag:$0x2] =	stream.indirect.gather.add.f32 [hbm:s30], $0x80, s11, s9, $0xb8;
	[tilespmem:$0x4800] =	vst v63  }
0x54: {  	_ =	swait.ge [sflag:s19], $0x4000  }
0x55: {  	[sflag:s19] =	ssyncset.done $0x0  }
0x56: {  	s31 =	rddreg [dreg:$0x8];
	[sflag:s19] =	ssyncadd.s32 $0xFFFFC000  }
0x57: {  	[tilespmem:s18], [sflag:$0x2] =	stream.indirect.gather.add.f32 [hbm:s31], $0x80, s12, s9, $0xb8;
	[tilespmem:$0x4800] =	vst v63  }
0x58: {  	_ =	swait.ge [sflag:s19], $0x4000  }
0x59: {  	[sflag:s19] =	ssyncset.done $0x0  }
0x5a: {  	s24 =	rddreg [dreg:$0x9];
	[sflag:s19] =	ssyncadd.s32 $0xFFFFC000  }
0x5b: {  	[tilespmem:s18], [sflag:$0x2] =	stream.indirect.gather.add.f32 [hbm:s24], $0x80, s13, s9, $0xb8;
	[tilespmem:$0x4800] =	vst v63  }
0x5c: {  	_ =	swait.ge [sflag:s19], $0x4000  }
0x5d: {  	[sflag:s19] =	ssyncset.done $0x0  }
0x5e: {  	s26 =	rddreg [dreg:$0xa];
	[sflag:s19] =	ssyncadd.s32 $0xFFFFC000  }
0x5f: {  	[tilespmem:s18], [sflag:$0x2] =	stream.indirect.gather.add.f32 [hbm:s26], $0x80, s14, s9, $0xb8;
	[tilespmem:$0x4800] =	vst v63  }
0x60: {  	_ =	swait.ge [sflag:s19], $0x4000  }
0x61: {  	[sflag:s19] =	ssyncset.done $0x0  }
0x62: {  	s28 =	rddreg [dreg:$0xb];
	[sflag:s19] =	ssyncadd.s32 $0xFFFFC000  }
0x63: {  	[tilespmem:s18], [sflag:$0x2] =	stream.indirect.gather.add.f32 [hbm:s28], $0x80, s15, s9, $0xb8;
	[tilespmem:$0x4800] =	vst v63  }
0x64: {  	_ =	swait.ge [sflag:s19], $0x4000  }
0x65: {  	[sflag:s19] =	ssyncset.done $0x0  }
0x66: {  	p1 =	sne.s32 s25, $0x1;
	s29 =	rddreg [dreg:$0xc];
	[sflag:s19] =	ssyncadd.s32 $0xFFFFC000  }
0x67: {  	[tilespmem:s18], [sflag:$0x2] =	stream.indirect.gather.add.f32 [hbm:s29], $0x80, s16, s9, $0xb8;
	[tilespmem:$0x4800] =	vst v63  }
0x68: {  	s23 =	sadd.s32 $0xFFFFFFE0, s7;
	s31 =	sshll.u32 s22, $0x4;
	_ =	swait.ge [sflag:s19], $0x4000  }
.Ltmp1:
0x69: {  	s30 =	rddreg [dreg:$0x4];
	[sflag:s19] =	ssyncset.done $0x0;
	(pc) =	sbr.rel @!p1 .LBB2_4-.Ltmp1, $4  }
0x6a: {  	s24 =	sadd.s32 $0x1000, s8;
	[sflag:s19] =	ssyncadd.s32 $0xFFFFC000;
	s22 =	sadd.s32 s30, s31  }
0x6b: {  	[hbm4b:s22+s2] =	stream.linear.scatter [tilespmem:s18], [sflag:$0x3], $0x4000, $0x38;
	[tilespmem:$0x4800] =	vst v63  }
0x6c: {  	s25 =	sadd.s32 $0xFFFFFFFF, s25;
	p0 =	seq.s32 s23, $0x0;
	s22 =	smov.u32 s24  }
0x6d: {  	s22 =	simm.s32 @p0 $0x18620;
	_ =	swait.ge [sflag:s20], $0x4000;
	p0 =	por $0x1, $0x1  }
.LBB2_3:
0x6e: {  	s26 =	sshrl.u32 s22, $0x3  }
0x6f: {  	[sflag:s20] =	ssyncset.done $0x0;
	s28 =	sadd.s32 $0x186A0, s22;
	s29 =	sadd.s32 $0x30D40, s22  }
0x70: {  	s26 =	sadd.s32 s4, s26;
	[sflag:s20] =	ssyncadd.s32 $0xFFFFC000;
	s31 =	sshrl.u32 s28, $0x3  }
0x71: {  	[tilespmem:s2], [sflag:$0x1] =	stream.linear.gather [hbm4b:s26+s2], $0x80, $0x38;
	[tilespmem:$0x4800] =	vst v63  }
0x72: {  	s28 =	sshrl.u32 s29, $0x3;
	s29 =	sadd.s32 $0x493E0, s22;
	s26 =	sadd.s32 s4, s31  }
0x73: {  	[tilespmem:s9], [sflag:$0x1] =	stream.linear.gather [hbm4b:s26+s2], $0x80, $0x38;
	[tilespmem:$0x4800] =	vst v63  }
0x74: {  	s30 =	sshrl.u32 s29, $0x3;
	s31 =	sadd.s32 $0x61A80, s22;
	s26 =	sadd.s32 s4, s28  }
0x75: {  	[tilespmem:s10], [sflag:$0x1] =	stream.linear.gather [hbm4b:s26+s2], $0x80, $0x38;
	[tilespmem:$0x4800] =	vst v63  }
0x76: {  	s26 =	sadd.s32 s4, s30;
	s30 =	sshrl.u32 s31, $0x3;
	s31 =	sadd.s32 $0x7A120, s22  }
0x77: {  	[tilespmem:s11], [sflag:$0x1] =	stream.linear.gather [hbm4b:s26+s2], $0x80, $0x38;
	[tilespmem:$0x4800] =	vst v63  }
0x78: {  	s26 =	sadd.s32 s4, s30;
	s30 =	sshrl.u32 s31, $0x3;
	s31 =	sadd.s32 $0x927C0, s22  }
0x79: {  	[tilespmem:s12], [sflag:$0x1] =	stream.linear.gather [hbm4b:s26+s2], $0x80, $0x38;
	[tilespmem:$0x4800] =	vst v63  }
0x7a: {  	s26 =	sadd.s32 s4, s30;
	s30 =	sshrl.u32 s31, $0x3;
	s31 =	sadd.s32 $0xAAE60, s22  }
0x7b: {  	[tilespmem:s13], [sflag:$0x1] =	stream.linear.gather [hbm4b:s26+s2], $0x80, $0x38;
	[tilespmem:$0x4800] =	vst v63  }
0x7c: {  	s26 =	sadd.s32 s4, s30;
	s30 =	sshrl.u32 s31, $0x3;
	s31 =	sadd.s32 $0xC3500, s22  }
0x7d: {  	[tilespmem:s14], [sflag:$0x1] =	stream.linear.gather [hbm4b:s26+s2], $0x80, $0x38;
	[tilespmem:$0x4800] =	vst v63  }
0x7e: {  	s30 =	sadd.s32 s4, s30;
	s31 =	sshrl.u32 s31, $0x3  }
0x7f: {  	[tilespmem:s15], [sflag:$0x1] =	stream.linear.gather [hbm4b:s30+s2], $0x80, $0x38;
	[tilespmem:$0x4800] =	vst v63  }
0x80: {  	s29 =	sadd.s32 s4, s31  }
0x81: {  	[tilespmem:s16], [sflag:$0x1] =	stream.linear.gather [hbm4b:s29+s2], $0x80, $0x38;
	[tilespmem:$0x4800] =	vst v63  }
0x82: {  	_ =	swait.ge [sflag:s17], $0x80  }
0x83: {  	[sflag:s17] =	ssyncset.done $0x0  }
0x84: {  	[sflag:s17] =	ssyncadd.s32 $0xFFFFFF80  }
0x85: {  	_ =	swait.ge [sflag:s17], $0x80  }
0x86: {  	[sflag:s17] =	ssyncset.done $0x0  }
0x87: {  	[sflag:s17] =	ssyncadd.s32 $0xFFFFFF80  }
0x88: {  	_ =	swait.ge [sflag:s17], $0x80  }
0x89: {  	[sflag:s17] =	ssyncset.done $0x0  }
0x8a: {  	[sflag:s17] =	ssyncadd.s32 $0xFFFFFF80  }
0x8b: {  	_ =	swait.ge [sflag:s17], $0x80  }
0x8c: {  	[sflag:s17] =	ssyncset.done $0x0  }
0x8d: {  	[sflag:s17] =	ssyncadd.s32 $0xFFFFFF80  }
0x8e: {  	_ =	swait.ge [sflag:s17], $0x80  }
0x8f: {  	[sflag:s17] =	ssyncset.done $0x0  }
0x90: {  	[sflag:s17] =	ssyncadd.s32 $0xFFFFFF80  }
0x91: {  	_ =	swait.ge [sflag:s17], $0x80  }
0x92: {  	[sflag:s17] =	ssyncset.done $0x0  }
0x93: {  	[sflag:s17] =	ssyncadd.s32 $0xFFFFFF80  }
0x94: {  	_ =	swait.ge [sflag:s17], $0x80  }
0x95: {  	[sflag:s17] =	ssyncset.done $0x0  }
0x96: {  	[sflag:s17] =	ssyncadd.s32 $0xFFFFFF80  }
0x97: {  	_ =	swait.ge [sflag:s17], $0x80  }
0x98: {  	[sflag:s17] =	ssyncset.done $0x0  }
0x99: {  	[sflag:s17] =	ssyncadd.s32 $0xFFFFFF80  }
0x9a: {  	_ =	swait.ge [sflag:s17], $0x80  }
0x9b: {  	[sflag:s17] =	ssyncset.done $0x0  }
0x9c: {  	[sflag:s17] =	ssyncadd.s32 $0xFFFFFF80  }
0x9d: {  	[tilespmem:s18], [sflag:$0x2] =	stream.indirect.gather [hbm4b:s1+s9], $0x80, s2, s9, $0xb8;
	[tilespmem:$0x4800] =	vst v63  }
0x9e: {  	_ =	swait.ge [sflag:s19], $0x4000  }
0x9f: {  	[sflag:s19] =	ssyncset.done $0x0  }
0xa0: {  	s30 =	rddreg [dreg:$0x5];
	[sflag:s19] =	ssyncadd.s32 $0xFFFFC000  }
0xa1: {  	[tilespmem:s18], [sflag:$0x2] =	stream.indirect.gather.add.f32 [hbm:s30], $0x80, s9, s9, $0xb8;
	[tilespmem:$0x4800] =	vst v63  }
0xa2: {  	_ =	swait.ge [sflag:s19], $0x4000  }
0xa3: {  	[sflag:s19] =	ssyncset.done $0x0  }
0xa4: {  	s31 =	rddreg [dreg:$0x6];
	[sflag:s19] =	ssyncadd.s32 $0xFFFFC000  }
0xa5: {  	[tilespmem:s18], [sflag:$0x2] =	stream.indirect.gather.add.f32 [hbm:s31], $0x80, s10, s9, $0xb8;
	[tilespmem:$0x4800] =	vst v63  }
0xa6: {  	_ =	swait.ge [sflag:s19], $0x4000  }
0xa7: {  	[sflag:s19] =	ssyncset.done $0x0  }
0xa8: {  	s28 =	rddreg [dreg:$0x7];
	[sflag:s19] =	ssyncadd.s32 $0xFFFFC000  }
0xa9: {  	[tilespmem:s18], [sflag:$0x2] =	stream.indirect.gather.add.f32 [hbm:s28], $0x80, s11, s9, $0xb8;
	[tilespmem:$0x4800] =	vst v63  }
0xaa: {  	_ =	swait.ge [sflag:s19], $0x4000  }
0xab: {  	[sflag:s19] =	ssyncset.done $0x0  }
0xac: {  	s29 =	rddreg [dreg:$0x8];
	[sflag:s19] =	ssyncadd.s32 $0xFFFFC000  }
0xad: {  	[tilespmem:s18], [sflag:$0x2] =	stream.indirect.gather.add.f32 [hbm:s29], $0x80, s12, s9, $0xb8;
	[tilespmem:$0x4800] =	vst v63  }
0xae: {  	_ =	swait.ge [sflag:s19], $0x4000  }
0xaf: {  	[sflag:s19] =	ssyncset.done $0x0  }
0xb0: {  	s30 =	rddreg [dreg:$0x9];
	[sflag:s19] =	ssyncadd.s32 $0xFFFFC000  }
0xb1: {  	[tilespmem:s18], [sflag:$0x2] =	stream.indirect.gather.add.f32 [hbm:s30], $0x80, s13, s9, $0xb8;
	[tilespmem:$0x4800] =	vst v63  }
0xb2: {  	_ =	swait.ge [sflag:s19], $0x4000  }
0xb3: {  	[sflag:s19] =	ssyncset.done $0x0  }
0xb4: {  	s31 =	rddreg [dreg:$0xa];
	[sflag:s19] =	ssyncadd.s32 $0xFFFFC000  }
0xb5: {  	[tilespmem:s18], [sflag:$0x2] =	stream.indirect.gather.add.f32 [hbm:s31], $0x80, s14, s9, $0xb8;
	[tilespmem:$0x4800] =	vst v63  }
0xb6: {  	_ =	swait.ge [sflag:s19], $0x4000  }
0xb7: {  	[sflag:s19] =	ssyncset.done $0x0  }
0xb8: {  	s28 =	rddreg [dreg:$0xb];
	[sflag:s19] =	ssyncadd.s32 $0xFFFFC000  }
0xb9: {  	[tilespmem:s18], [sflag:$0x2] =	stream.indirect.gather.add.f32 [hbm:s28], $0x80, s15, s9, $0xb8;
	[tilespmem:$0x4800] =	vst v63  }
0xba: {  	_ =	swait.ge [sflag:s19], $0x4000  }
0xbb: {  	[sflag:s19] =	ssyncset.done $0x0  }
0xbc: {  	p1 =	sne.s32 s25, $0x1;
	s29 =	rddreg [dreg:$0xc];
	[sflag:s19] =	ssyncadd.s32 $0xFFFFC000  }
0xbd: {  	[tilespmem:s18], [sflag:$0x2] =	stream.indirect.gather.add.f32 [hbm:s29], $0x80, s16, s9, $0xb8;
	[tilespmem:$0x4800] =	vst v63  }
0xbe: {  	s23 =	sadd.s32 $0xFFFFFFE0, s23;
	s31 =	sshll.u32 s22, $0x4;
	_ =	swait.ge [sflag:s19], $0x4000  }
.Ltmp2:
0xbf: {  	s30 =	rddreg [dreg:$0x4];
	[sflag:s19] =	ssyncset.done $0x0;
	(pc) =	sbr.rel @p1 .LBB2_3-.Ltmp2, $4  }
0xc0: {  	s24 =	sadd.s32 $0x1000, s24;
	[sflag:s19] =	ssyncadd.s32 $0xFFFFC000;
	s22 =	sadd.s32 s30, s31  }
0xc1: {  	[hbm4b:s22+s2] =	stream.linear.scatter [tilespmem:s18], [sflag:$0x3], $0x4000, $0x38;
	[tilespmem:$0x4800] =	vst v63  }
0xc2: {  	p2 =	seq.s32 s23, $0x0;
	s22 =	smov.u32 s24  }
0xc3: {  	s25 =	sadd.s32 $0xFFFFFFFF, s25;
	s22 =	simm.s32 @p2 $0x18620;
	_ =	swait.ge [sflag:s20], $0x4000  }
.LBB2_4:
0xc4: {  	s23 =	sshrl.u32 s22, $0x3  }
0xc5: {  	[sflag:s20] =	ssyncset.done @p0 $0x0;
	s24 =	sadd.s32 $0x186A0, s22;
	s28 =	sadd.s32 $0x30D40, s22  }
0xc6: {  	s23 =	sadd.s32 s4, s23;
	[sflag:s20] =	ssyncadd.s32 @p0 $0xFFFFC000;
	s26 =	sshrl.u32 s24, $0x3  }
0xc7: {  	[tilespmem:s2], [sflag:$0x1] =	stream.linear.gather [hbm4b:s23+s2], $0x80, $0x38;
	[tilespmem:$0x4800] =	vst v63  }
0xc8: {  	s25 =	sadd.s32 $0x493E0, s22;
	s24 =	sshrl.u32 s28, $0x3;
	s23 =	sadd.s32 s4, s26  }
0xc9: {  	[tilespmem:s9], [sflag:$0x1] =	stream.linear.gather [hbm4b:s23+s2], $0x80, $0x38;
	[tilespmem:$0x4800] =	vst v63  }
0xca: {  	s31 =	sadd.s32 $0x61A80, s22;
	s30 =	sshrl.u32 s25, $0x3;
	s29 =	sadd.s32 s4, s24  }
0xcb: {  	[tilespmem:s10], [sflag:$0x1] =	stream.linear.gather [hbm4b:s29+s2], $0x80, $0x38;
	[tilespmem:$0x4800] =	vst v63  }
0xcc: {  	s28 =	sadd.s32 $0x7A120, s22;
	s24 =	sadd.s32 s4, s30;
	s26 =	sshrl.u32 s31, $0x3  }
0xcd: {  	[tilespmem:s11], [sflag:$0x1] =	stream.linear.gather [hbm4b:s24+s2], $0x80, $0x38;
	[tilespmem:$0x4800] =	vst v63  }
0xce: {  	s30 =	sshrl.u32 s28, $0x3;
	s31 =	sadd.s32 $0x927C0, s22;
	s29 =	sadd.s32 s4, s26  }
0xcf: {  	[tilespmem:s12], [sflag:$0x1] =	stream.linear.gather [hbm4b:s29+s2], $0x80, $0x38;
	[tilespmem:$0x4800] =	vst v63  }
0xd0: {  	s28 =	sadd.s32 $0xAAE60, s22;
	s26 =	sshrl.u32 s31, $0x3;
	s24 =	sadd.s32 s4, s30  }
0xd1: {  	[tilespmem:s13], [sflag:$0x1] =	stream.linear.gather [hbm4b:s24+s2], $0x80, $0x38;
	[tilespmem:$0x4800] =	vst v63  }
0xd2: {  	s31 =	sadd.s32 $0xC3500, s22;
	s30 =	sshrl.u32 s28, $0x3;
	s29 =	sadd.s32 s4, s26  }
0xd3: {  	[tilespmem:s14], [sflag:$0x1] =	stream.linear.gather [hbm4b:s29+s2], $0x80, $0x38;
	[tilespmem:$0x4800] =	vst v63  }
0xd4: {  	s26 =	sshrl.u32 s31, $0x3;
	s24 =	sadd.s32 s4, s30  }
0xd5: {  	[tilespmem:s15], [sflag:$0x1] =	stream.linear.gather [hbm4b:s24+s2], $0x80, $0x38;
	[tilespmem:$0x4800] =	vst v63  }
0xd6: {  	s28 =	sadd.s32 s4, s26  }
0xd7: {  	[tilespmem:s16], [sflag:$0x1] =	stream.linear.gather [hbm4b:s28+s2], $0x80, $0x38;
	[tilespmem:$0x4800] =	vst v63  }
0xd8: {  	_ =	swait.ge [sflag:s17], $0x80  }
0xd9: {  	[sflag:s17] =	ssyncset.done $0x0  }
0xda: {  	[sflag:s17] =	ssyncadd.s32 $0xFFFFFF80  }
0xdb: {  	_ =	swait.ge [sflag:s17], $0x80  }
0xdc: {  	[sflag:s17] =	ssyncset.done $0x0  }
0xdd: {  	[sflag:s17] =	ssyncadd.s32 $0xFFFFFF80  }
0xde: {  	_ =	swait.ge [sflag:s17], $0x80  }
0xdf: {  	[sflag:s17] =	ssyncset.done $0x0  }
0xe0: {  	[sflag:s17] =	ssyncadd.s32 $0xFFFFFF80  }
0xe1: {  	_ =	swait.ge [sflag:s17], $0x80  }
0xe2: {  	[sflag:s17] =	ssyncset.done $0x0  }
0xe3: {  	[sflag:s17] =	ssyncadd.s32 $0xFFFFFF80  }
0xe4: {  	_ =	swait.ge [sflag:s17], $0x80  }
0xe5: {  	[sflag:s17] =	ssyncset.done $0x0  }
0xe6: {  	[sflag:s17] =	ssyncadd.s32 $0xFFFFFF80  }
0xe7: {  	_ =	swait.ge [sflag:s17], $0x80  }
0xe8: {  	[sflag:s17] =	ssyncset.done $0x0  }
0xe9: {  	[sflag:s17] =	ssyncadd.s32 $0xFFFFFF80  }
0xea: {  	_ =	swait.ge [sflag:s17], $0x80  }
0xeb: {  	[sflag:s17] =	ssyncset.done $0x0  }
0xec: {  	[sflag:s17] =	ssyncadd.s32 $0xFFFFFF80  }
0xed: {  	_ =	swait.ge [sflag:s17], $0x80  }
0xee: {  	[sflag:s17] =	ssyncset.done $0x0  }
0xef: {  	[sflag:s17] =	ssyncadd.s32 $0xFFFFFF80  }
0xf0: {  	_ =	swait.ge [sflag:s17], $0x80  }
0xf1: {  	[sflag:s17] =	ssyncset.done $0x0  }
0xf2: {  	[sflag:s17] =	ssyncadd.s32 $0xFFFFFF80  }
0xf3: {  	[tilespmem:s18], [sflag:$0x2] =	stream.indirect.gather [hbm4b:s1+s9], $0x80, s2, s9, $0xb8;
	[tilespmem:$0x4800] =	vst v63  }
0xf4: {  	_ =	swait.ge [sflag:s19], $0x4000  }
0xf5: {  	[sflag:s19] =	ssyncset.done $0x0  }
0xf6: {  	s29 =	rddreg [dreg:$0x5];
	[sflag:s19] =	ssyncadd.s32 $0xFFFFC000  }
0xf7: {  	[tilespmem:s18], [sflag:$0x2] =	stream.indirect.gather.add.f32 [hbm:s29], $0x80, s9, s9, $0xb8;
	[tilespmem:$0x4800] =	vst v63  }
0xf8: {  	_ =	swait.ge [sflag:s19], $0x4000  }
0xf9: {  	[sflag:s19] =	ssyncset.done $0x0  }
0xfa: {  	s30 =	rddreg [dreg:$0x6];
	[sflag:s19] =	ssyncadd.s32 $0xFFFFC000  }
0xfb: {  	[tilespmem:s18], [sflag:$0x2] =	stream.indirect.gather.add.f32 [hbm:s30], $0x80, s10, s9, $0xb8;
	[tilespmem:$0x4800] =	vst v63  }
0xfc: {  	_ =	swait.ge [sflag:s19], $0x4000  }
0xfd: {  	[sflag:s19] =	ssyncset.done $0x0  }
0xfe: {  	s31 =	rddreg [dreg:$0x7];
	[sflag:s19] =	ssyncadd.s32 $0xFFFFC000  }
0xff: {  	[tilespmem:s18], [sflag:$0x2] =	stream.indirect.gather.add.f32 [hbm:s31], $0x80, s11, s9, $0xb8;
	[tilespmem:$0x4800] =	vst v63  }
0x100: {  	_ =	swait.ge [sflag:s19], $0x4000  }
0x101: {  	[sflag:s19] =	ssyncset.done $0x0  }
0x102: {  	s24 =	rddreg [dreg:$0x8];
	[sflag:s19] =	ssyncadd.s32 $0xFFFFC000  }
0x103: {  	[tilespmem:s18], [sflag:$0x2] =	stream.indirect.gather.add.f32 [hbm:s24], $0x80, s12, s9, $0xb8;
	[tilespmem:$0x4800] =	vst v63  }
0x104: {  	_ =	swait.ge [sflag:s19], $0x4000  }
0x105: {  	[sflag:s19] =	ssyncset.done $0x0  }
0x106: {  	s25 =	rddreg [dreg:$0x9];
	[sflag:s19] =	ssyncadd.s32 $0xFFFFC000  }
0x107: {  	[tilespmem:s18], [sflag:$0x2] =	stream.indirect.gather.add.f32 [hbm:s25], $0x80, s13, s9, $0xb8;
	[tilespmem:$0x4800] =	vst v63  }
0x108: {  	_ =	swait.ge [sflag:s19], $0x4000  }
0x109: {  	[sflag:s19] =	ssyncset.done $0x0  }
0x10a: {  	s26 =	rddreg [dreg:$0xa];
	[sflag:s19] =	ssyncadd.s32 $0xFFFFC000  }
0x10b: {  	[tilespmem:s18], [sflag:$0x2] =	stream.indirect.gather.add.f32 [hbm:s26], $0x80, s14, s9, $0xb8;
	[tilespmem:$0x4800] =	vst v63  }
0x10c: {  	_ =	swait.ge [sflag:s19], $0x4000  }
0x10d: {  	[sflag:s19] =	ssyncset.done $0x0  }
0x10e: {  	s28 =	rddreg [dreg:$0xb];
	[sflag:s19] =	ssyncadd.s32 $0xFFFFC000  }
0x10f: {  	[tilespmem:s18], [sflag:$0x2] =	stream.indirect.gather.add.f32 [hbm:s28], $0x80, s15, s9, $0xb8;
	[tilespmem:$0x4800] =	vst v63  }
0x110: {  	_ =	swait.ge [sflag:s19], $0x4000  }
0x111: {  	[sflag:s19] =	ssyncset.done $0x0  }
0x112: {  	s21 =	sadd.s32 $0x1, s21;
	s29 =	rddreg [dreg:$0xc];
	[sflag:s19] =	ssyncadd.s32 $0xFFFFC000  }
0x113: {  	[tilespmem:s18], [sflag:$0x2] =	stream.indirect.gather.add.f32 [hbm:s29], $0x80, s16, s9, $0xb8;
	[tilespmem:$0x4800] =	vst v63  }
0x114: {  	p0 =	sne.s32 s21, s5;
	_ =	swait.ge [sflag:s19], $0x4000  }
0x115: {  	s31 =	sshll.u32 s22, $0x4;
	s30 =	rddreg [dreg:$0x4];
	[sflag:s19] =	ssyncset.done $0x0  }
.Ltmp3:
0x116: {  	[sflag:s19] =	ssyncadd.s32 $0xFFFFC000;
	s22 =	sadd.s32 s30, s31;
	(pc) =	sbr.rel @p0 .LBB2_1-.Ltmp3, $4  }
0x117: {  	[hbm4b:s22+s2] =	stream.linear.scatter [tilespmem:s18], [sflag:$0x3], $0x4000, $0x38;
	[tilespmem:$0x4800] =	vst v63  }
0x118: {  	_ =	swait.ge [sflag:s20], $0x4000  }
0x119: {  	[sflag:s20] =	ssyncset.done $0x0  }
0x11a: {  	[sflag:s20] =	ssyncadd.s32 $0xFFFFC000  }
0x11b: {  	_ =	sfence.sel $0x180000  }
0x11c: {  	[bflag:$0x0] =	sbarrier.arrive $0xFFFF  }
0x11d: {  	p0 =	sne.s32 s3, $0x0;
	_ =	strace $0x90000047  }
0x11e: {  	s0 =	sadd.s32 @!p0 $0x100000, s0;
	[bflag:$0x2] =	sbarrier.arrive $0xFFFF  }
0x11f: {  	[sflag:s0] =	ssyncadd.tile.s32 @!p0 $0x1;
	_ =	shalt  }
.Lfunc_end2:
_tile_overlayer_lowered:
.L_overlay_start_2:
0x120: {  	(tag) =	ssettag $0x2  }
0x121: {  	s0 =	rddreg [dreg:$0x0];
	s2 =	stileid.u32  }
0x122: {  	s1 =	rddreg [dreg:$0x1];
	p0 =	sne.s32 s2, $0x0  }
0x123: {  	s3 =	rddreg [dreg:$0x2];
	[bflag:$0x3] =	sbarrier.arrive $0xFFFF;
	s2 =	simm.s32 @!p0 $0x1C03  }
0x124: {  	[timem:s3], [sflag:s2] =	dma.local @!p0 [hbm:s0], s1  }
0x125: {  	s0 =	simm.s32 @!p0 $0x3  }
0x126: {  	_ =	swait.ge @!p0 [sflag:s0], s1  }
0x127: {  	s1 =	ssub.s32 @!p0 $0x0, s1;
	[sflag:s0] =	ssyncset.done @!p0 $0x0  }
0x128: {  	[sflag:s0] =	ssyncadd.s32 @!p0 s1  }
0x129: {  	[bflag:$0x3] =	sbarrier.arrive $0xFFFF  }
0x12a: {  	_ =	shalt  }

</sc_bundles>
